<compile_context>
chip_gen: v7x
topology: tpu7x:2x2x1
jax: 0.10.2.dev20260603
libtpu: 0.0.44.dev20260713+nightly
codegen_flags: <defaults>
</compile_context>

<pallas_src>
import functools
import jax
import jax.numpy as jnp
from jax import lax
from jax.experimental import pallas as pl
from jax.experimental.pallas import tpu as pltpu, tpu_sc as plsc

D_MODEL = 64
NC, NS = 2, 16
NW = NC * NS
CG = 8
SG = NW // CG
LANES = 16


def _gather_body(xT_hbm, peT_hbm, outT_hbm, table_v, idx_v, out_v, osem, isem,
                 *, seqlen, batch, n_c, table_len):
    c = lax.axis_index("c")
    s = lax.axis_index("s")
    wid = s * NC + c
    c0 = (wid % CG) * n_c
    s_per = seqlen // SG
    s0 = (wid // CG) * s_per
    ngroups = batch // LANES
    table_f = table_v

    for cl in range(n_c):
        pltpu.sync_copy(peT_hbm.at[c0 + cl],
                        table_v.at[pl.ds(cl * table_len, table_len)])

    def put(si, b):
        return pltpu.async_copy(
            out_v.at[b], outT_hbm.at[si, pl.ds(c0, n_c)], osem.at[b])

    def wait_put(si, b):
        pltpu.make_async_copy(
            out_v.at[b], outT_hbm.at[si, pl.ds(c0, n_c)], osem.at[b]).wait()

    def get_idx(si, ib):
        return pltpu.async_copy(xT_hbm.at[si], idx_v.at[ib], isem.at[ib])

    def wait_idx(si, ib):
        pltpu.make_async_copy(xT_hbm.at[si], idx_v.at[ib], isem.at[ib]).wait()

    get_idx(s0, 0)

    @pl.loop(0, s_per, step=2)
    def _(i):
        for b in range(2):
            si = s0 + i + b
            wait_idx(si, b)

            @pl.when(i + b + 1 < s_per)
            def _():
                get_idx(si + 1, 1 - b)

            @pl.when(i + b >= 2)
            def _():
                wait_put(si - 2, b)

            @plsc.parallel_loop(0, batch, step=LANES, unroll=8)
            def _(o):
                idx16 = idx_v[b, pl.ds(o, LANES)]
                for cl in range(n_c):
                    val = plsc.load_gather(
                        table_f, [idx16 + jnp.int32(cl * table_len)])
                    out_v[b, cl, pl.ds(o, LANES)] = val

            put(si, b)

    for b in range(2):
        wait_put(s0 + s_per - 2 + b, b)


@jax.jit
def _pe_gather(xT, peT):
    seqlen, batch = xT.shape
    n_c = peT.shape[0] // CG
    table_len = peT.shape[1]
    mesh = plsc.VectorSubcoreMesh(
        core_axis_name="c", subcore_axis_name="s",
        num_cores=NC, num_subcores=NS)
    body = functools.partial(_gather_body, seqlen=seqlen, batch=batch,
                             n_c=n_c, table_len=table_len)
    k = pl.kernel(
        body,
        out_type=jax.ShapeDtypeStruct((seqlen, peT.shape[0], batch),
                                      jnp.float32),
        mesh=mesh,
        scratch_types=[
            pltpu.VMEM((n_c * table_len,), jnp.float32),
            pltpu.VMEM((2, batch), jnp.int32),
            pltpu.VMEM((2, n_c, batch), jnp.float32),
            pltpu.SemaphoreType.DMA((2,)),
            pltpu.SemaphoreType.DMA((2,)),
        ],
        compiler_params=pltpu.CompilerParams(needs_layout_passes=False),
    )
    return k(xT, peT)


def kernel(x, pe):
    xT = jnp.swapaxes(x, 0, 1)
    peT = jnp.swapaxes(pe, 0, 1)
    outT = _pe_gather(xT, peT)
    return outT.transpose(2, 0, 1)

# --- scband reference (transcript-rebuilt; emitter-appended) ---
"""Pipeline reference for scband-positional-encoding-3350074491052 (READ-ONLY COPY).

The authoritative reference and input builder live on the scoring server;
editing this copy changes nothing except your own understanding.
"""

import math
import jax, jax.numpy as jnp
import numpy as np

D_MODEL = 64
MAX_LEN = 2048
BATCH = 4096
SEQLEN = 200

def _build_pe(max_len, d_model):
    position = np.arange(0, max_len, dtype=np.float32)[:, None]
    div_term = np.exp(np.arange(0, d_model, 2, dtype=np.float32) * -(math.log(10000.0) / d_model))
    pe = np.zeros((max_len, d_model), dtype=np.float32)
    pe[:, 0::2] = np.sin(position * div_term)
    pe[:, 1::2] = np.cos(position * div_term)
    return jnp.asarray(pe)

def setup_inputs(seed: int = 0) -> dict:
    key = jax.random.key(seed)
    x = jax.random.randint(key, (BATCH, SEQLEN), 0, MAX_LEN, dtype=jnp.int64 if jax.config.jax_enable_x64 else jnp.int32)
    pe = _build_pe(MAX_LEN, D_MODEL)
    return {"x": x, "pe": pe}

def reference(x, pe):
    bsize, sqlen = x.shape
    y = x.reshape(bsize * sqlen)
    code = jnp.take(pe, y, axis=0).reshape(bsize, sqlen, -1)
    return code

if __name__ == "__main__":
    import jax
    _d = setup_inputs()
    print(jax.jit(kernel)(*tuple(_d.values())))

</pallas_src>

<mosaic_0001>
#map = affine_map<(d0, d1) -> (0, 0)>
#map1 = affine_map<(d0, d1) -> (0, 0, 0)>
module attributes {stable_mosaic.version = 14 : i64} {
  func.func @_gather_body(%arg0: i32, %arg1: i32, %arg2: memref<200x4096xi32, #tpu.memory_space<hbm>>, %arg3: memref<64x2048xf32, #tpu.memory_space<hbm>>, %arg4: memref<200x64x4096xf32, #tpu.memory_space<hbm>>, %arg5: memref<16384xf32, #tpu.memory_space<vmem>>, %arg6: memref<2x4096xi32, #tpu.memory_space<vmem>>, %arg7: memref<2x8x4096xf32, #tpu.memory_space<vmem>>, %arg8: memref<2x!tpu.dma_semaphore, #tpu.memory_space<semaphore_mem>>, %arg9: memref<2x!tpu.dma_semaphore, #tpu.memory_space<semaphore_mem>>) attributes {dimension_semantics = [#tpu.dimension_semantics<core_parallel>, #tpu.dimension_semantics<subcore_parallel>], iteration_bounds = array<i64: 2, 16>, scalar_prefetch = 0 : i64, scratch_operands = 5 : i64, tpu.core_type = #tpu.core_type<sc_vector_subcore>, window_params = [{transform_indices = #map}, {transform_indices = #map}, {transform_indices = #map1}]} {
    %mul3A = arith.constant 2 : i32
    %mul3A_0 = arith.muli %arg1, %mul3A : i32
    %add3A = arith.addi %mul3A_0, %arg0 : i32
    %jit3A = arith.constant 8 : i32
    %eq3A = arith.constant 0 : i32
    %eq3A_1 = arith.cmpi eq, %jit3A, %eq3A : i32
    %jit3A_2 = arith.constant 1 : i32
    %select_n3A = arith.select %eq3A_1, %jit3A_2, %jit3A : i32
    %rem3A = arith.remsi %add3A, %select_n3A : i32
    %ne3A = arith.constant 0 : i32
    %ne3A_3 = arith.cmpi ne, %rem3A, %ne3A : i32
    %lt3A = arith.constant 0 : i32
    %lt3A_4 = arith.cmpi slt, %rem3A, %lt3A : i32
    %lt3A_5 = arith.constant 0 : i32
    %lt3A_6 = arith.cmpi slt, %select_n3A, %lt3A_5 : i32
    %ne3A_7 = arith.xori %lt3A_4, %lt3A_6 : i1
    %and3A = arith.andi %ne3A_7, %ne3A_3 : i1
    %add3A_8 = arith.addi %rem3A, %select_n3A : i32
    %select_n3A_9 = arith.select %and3A, %add3A_8, %rem3A : i32
    %mul3A_10 = arith.constant 8 : i32
    %mul3A_11 = arith.muli %select_n3A_9, %mul3A_10 : i32
    %jit3A_12 = arith.constant 8 : i32
    %div3A = arith.divsi %add3A, %jit3A_12 : i32
    %sign3A = arith.constant 0 : i32
    %sign3A_13 = arith.cmpi sgt, %add3A, %sign3A : i32
    %sign3A_14 = arith.extui %sign3A_13 : i1 to i32
    %sign3A_15 = arith.constant 0 : i32
    %sign3A_16 = arith.cmpi slt, %add3A, %sign3A_15 : i32
    %sign3A_17 = arith.extui %sign3A_16 : i1 to i32
    %sign3A_18 = arith.subi %sign3A_14, %sign3A_17 : i32
    %sign3A_19 = arith.constant 0 : i32
    %sign3A_20 = arith.cmpi sgt, %jit3A_12, %sign3A_19 : i32
    %sign3A_21 = arith.extui %sign3A_20 : i1 to i32
    %sign3A_22 = arith.constant 0 : i32
    %sign3A_23 = arith.cmpi slt, %jit3A_12, %sign3A_22 : i32
    %sign3A_24 = arith.extui %sign3A_23 : i1 to i32
    %sign3A_25 = arith.subi %sign3A_21, %sign3A_24 : i32
    %ne3A_26 = arith.cmpi ne, %sign3A_18, %sign3A_25 : i32
    %rem3A_27 = arith.remsi %add3A, %jit3A_12 : i32
    %ne3A_28 = arith.constant 0 : i32
    %ne3A_29 = arith.cmpi ne, %rem3A_27, %ne3A_28 : i32
    %and3A_30 = arith.andi %ne3A_26, %ne3A_29 : i1
    %sub3A = arith.constant 1 : i32
    %sub3A_31 = arith.subi %div3A, %sub3A : i32
    %select_n3A_32 = arith.select %and3A_30, %sub3A_31, %div3A : i32
    %mul3A_33 = arith.constant 50 : i32
    %mul3A_34 = arith.muli %select_n3A_32, %mul3A_33 : i32
    %add3A_35 = arith.constant 0 : i32
    %add3A_36 = arith.addi %mul3A_11, %add3A_35 : i32
    "tpu.region"() ({
      %run_scoped3A = tpu.sem_alloc : memref<!tpu.dma_semaphore, #tpu.memory_space<semaphore_mem>>
      %dma_start3A_117 = arith.constant 0 : i32
      %dma_start3A_118 = tpu.memref_slice %arg5[%dma_start3A_117] : memref<16384xf32, #tpu.memory_space<vmem>> -> memref<2048xf32, #tpu.memory_space<vmem>>
      %dma_start3A_119 = arith.constant 0 : i32
      %dma_start3A_120 = tpu.memref_slice %arg3[%add3A_36, %dma_start3A_119] : memref<64x2048xf32, #tpu.memory_space<hbm>> -> memref<1x2048xf32, #tpu.memory_space<hbm>>
      %dma_start3A_121 = tpu.memref_squeeze %dma_start3A_120 : memref<1x2048xf32, #tpu.memory_space<hbm>> -> memref<2048xf32, #tpu.memory_space<hbm>>
      %dma_start3A_122 = arith.constant 0 : i32
      %dma_start3A_123 = tpu.memref_slice %arg5[%dma_start3A_122] : memref<16384xf32, #tpu.memory_space<vmem>> -> memref<2048xf32, #tpu.memory_space<vmem>>
      %dma_start3A_124 = arith.constant 0 : i32
      %dma_start3A_125 = tpu.memref_slice %arg3[%add3A_36, %dma_start3A_124] : memref<64x2048xf32, #tpu.memory_space<hbm>> -> memref<1x2048xf32, #tpu.memory_space<hbm>>
      %dma_start3A_126 = tpu.memref_squeeze %dma_start3A_125 : memref<1x2048xf32, #tpu.memory_space<hbm>> -> memref<2048xf32, #tpu.memory_space<hbm>>
      tpu.enqueue_dma source(%dma_start3A_126 : memref<2048xf32, #tpu.memory_space<hbm>>) target(%dma_start3A_123 : memref<2048xf32, #tpu.memory_space<vmem>>) target_semaphore(%run_scoped3A : memref<!tpu.dma_semaphore, #tpu.memory_space<semaphore_mem>>)
      %dma_wait3A_127 = arith.constant 0 : i32
      %dma_wait3A_128 = tpu.memref_slice %arg5[%dma_wait3A_127] : memref<16384xf32, #tpu.memory_space<vmem>> -> memref<2048xf32, #tpu.memory_space<vmem>>
      %dma_wait3A_129 = arith.constant 0 : i32
      %dma_wait3A_130 = tpu.memref_slice %arg3[%add3A_36, %dma_wait3A_129] : memref<64x2048xf32, #tpu.memory_space<hbm>> -> memref<1x2048xf32, #tpu.memory_space<hbm>>
      %dma_wait3A_131 = tpu.memref_squeeze %dma_wait3A_130 : memref<1x2048xf32, #tpu.memory_space<hbm>> -> memref<2048xf32, #tpu.memory_space<hbm>>
      %dma_wait3A_132 = arith.constant 0 : i32
      %dma_wait3A_133 = tpu.memref_slice %arg5[%dma_wait3A_132] : memref<16384xf32, #tpu.memory_space<vmem>> -> memref<2048xf32, #tpu.memory_space<vmem>>
      %dma_wait3A_134 = arith.constant 0 : i32
      %dma_wait3A_135 = tpu.memref_slice %arg3[%add3A_36, %dma_wait3A_134] : memref<64x2048xf32, #tpu.memory_space<hbm>> -> memref<1x2048xf32, #tpu.memory_space<hbm>>
      %dma_wait3A_136 = tpu.memref_squeeze %dma_wait3A_135 : memref<1x2048xf32, #tpu.memory_space<hbm>> -> memref<2048xf32, #tpu.memory_space<hbm>>
      tpu.wait_dma2 semaphore(%run_scoped3A : memref<!tpu.dma_semaphore, #tpu.memory_space<semaphore_mem>>) src(%dma_wait3A_136 : memref<2048xf32, #tpu.memory_space<hbm>>) dst(%dma_wait3A_133 : memref<2048xf32, #tpu.memory_space<vmem>>)
      tpu.yield
    }) : () -> ()
    %add3A_37 = arith.constant 1 : i32
    %add3A_38 = arith.addi %mul3A_11, %add3A_37 : i32
    "tpu.region"() ({
      %run_scoped3A = tpu.sem_alloc : memref<!tpu.dma_semaphore, #tpu.memory_space<semaphore_mem>>
      %dma_start3A_117 = arith.constant 2048 : i32
      %dma_start3A_118 = tpu.memref_slice %arg5[%dma_start3A_117] : memref<16384xf32, #tpu.memory_space<vmem>> -> memref<2048xf32, #tpu.memory_space<vmem>>
      %dma_start3A_119 = arith.constant 0 : i32
      %dma_start3A_120 = tpu.memref_slice %arg3[%add3A_38, %dma_start3A_119] : memref<64x2048xf32, #tpu.memory_space<hbm>> -> memref<1x2048xf32, #tpu.memory_space<hbm>>
      %dma_start3A_121 = tpu.memref_squeeze %dma_start3A_120 : memref<1x2048xf32, #tpu.memory_space<hbm>> -> memref<2048xf32, #tpu.memory_space<hbm>>
      %dma_start3A_122 = arith.constant 2048 : i32
      %dma_start3A_123 = tpu.memref_slice %arg5[%dma_start3A_122] : memref<16384xf32, #tpu.memory_space<vmem>> -> memref<2048xf32, #tpu.memory_space<vmem>>
      %dma_start3A_124 = arith.constant 0 : i32
      %dma_start3A_125 = tpu.memref_slice %arg3[%add3A_38, %dma_start3A_124] : memref<64x2048xf32, #tpu.memory_space<hbm>> -> memref<1x2048xf32, #tpu.memory_space<hbm>>
      %dma_start3A_126 = tpu.memref_squeeze %dma_start3A_125 : memref<1x2048xf32, #tpu.memory_space<hbm>> -> memref<2048xf32, #tpu.memory_space<hbm>>
      tpu.enqueue_dma source(%dma_start3A_126 : memref<2048xf32, #tpu.memory_space<hbm>>) target(%dma_start3A_123 : memref<2048xf32, #tpu.memory_space<vmem>>) target_semaphore(%run_scoped3A : memref<!tpu.dma_semaphore, #tpu.memory_space<semaphore_mem>>)
      %dma_wait3A_127 = arith.constant 2048 : i32
      %dma_wait3A_128 = tpu.memref_slice %arg5[%dma_wait3A_127] : memref<16384xf32, #tpu.memory_space<vmem>> -> memref<2048xf32, #tpu.memory_space<vmem>>
      %dma_wait3A_129 = arith.constant 0 : i32
      %dma_wait3A_130 = tpu.memref_slice %arg3[%add3A_38, %dma_wait3A_129] : memref<64x2048xf32, #tpu.memory_space<hbm>> -> memref<1x2048xf32, #tpu.memory_space<hbm>>
      %dma_wait3A_131 = tpu.memref_squeeze %dma_wait3A_130 : memref<1x2048xf32, #tpu.memory_space<hbm>> -> memref<2048xf32, #tpu.memory_space<hbm>>
      %dma_wait3A_132 = arith.constant 2048 : i32
      %dma_wait3A_133 = tpu.memref_slice %arg5[%dma_wait3A_132] : memref<16384xf32, #tpu.memory_space<vmem>> -> memref<2048xf32, #tpu.memory_space<vmem>>
      %dma_wait3A_134 = arith.constant 0 : i32
      %dma_wait3A_135 = tpu.memref_slice %arg3[%add3A_38, %dma_wait3A_134] : memref<64x2048xf32, #tpu.memory_space<hbm>> -> memref<1x2048xf32, #tpu.memory_space<hbm>>
      %dma_wait3A_136 = tpu.memref_squeeze %dma_wait3A_135 : memref<1x2048xf32, #tpu.memory_space<hbm>> -> memref<2048xf32, #tpu.memory_space<hbm>>
      tpu.wait_dma2 semaphore(%run_scoped3A : memref<!tpu.dma_semaphore, #tpu.memory_space<semaphore_mem>>) src(%dma_wait3A_136 : memref<2048xf32, #tpu.memory_space<hbm>>) dst(%dma_wait3A_133 : memref<2048xf32, #tpu.memory_space<vmem>>)
      tpu.yield
    }) : () -> ()
    %add3A_39 = arith.constant 2 : i32
    %add3A_40 = arith.addi %mul3A_11, %add3A_39 : i32
    "tpu.region"() ({
      %run_scoped3A = tpu.sem_alloc : memref<!tpu.dma_semaphore, #tpu.memory_space<semaphore_mem>>
      %dma_start3A_117 = arith.constant 4096 : i32
      %dma_start3A_118 = tpu.memref_slice %arg5[%dma_start3A_117] : memref<16384xf32, #tpu.memory_space<vmem>> -> memref<2048xf32, #tpu.memory_space<vmem>>
      %dma_start3A_119 = arith.constant 0 : i32
      %dma_start3A_120 = tpu.memref_slice %arg3[%add3A_40, %dma_start3A_119] : memref<64x2048xf32, #tpu.memory_space<hbm>> -> memref<1x2048xf32, #tpu.memory_space<hbm>>
      %dma_start3A_121 = tpu.memref_squeeze %dma_start3A_120 : memref<1x2048xf32, #tpu.memory_space<hbm>> -> memref<2048xf32, #tpu.memory_space<hbm>>
      %dma_start3A_122 = arith.constant 4096 : i32
      %dma_start3A_123 = tpu.memref_slice %arg5[%dma_start3A_122] : memref<16384xf32, #tpu.memory_space<vmem>> -> memref<2048xf32, #tpu.memory_space<vmem>>
      %dma_start3A_124 = arith.constant 0 : i32
      %dma_start3A_125 = tpu.memref_slice %arg3[%add3A_40, %dma_start3A_124] : memref<64x2048xf32, #tpu.memory_space<hbm>> -> memref<1x2048xf32, #tpu.memory_space<hbm>>
      %dma_start3A_126 = tpu.memref_squeeze %dma_start3A_125 : memref<1x2048xf32, #tpu.memory_space<hbm>> -> memref<2048xf32, #tpu.memory_space<hbm>>
      tpu.enqueue_dma source(%dma_start3A_126 : memref<2048xf32, #tpu.memory_space<hbm>>) target(%dma_start3A_123 : memref<2048xf32, #tpu.memory_space<vmem>>) target_semaphore(%run_scoped3A : memref<!tpu.dma_semaphore, #tpu.memory_space<semaphore_mem>>)
      %dma_wait3A_127 = arith.constant 4096 : i32
      %dma_wait3A_128 = tpu.memref_slice %arg5[%dma_wait3A_127] : memref<16384xf32, #tpu.memory_space<vmem>> -> memref<2048xf32, #tpu.memory_space<vmem>>
      %dma_wait3A_129 = arith.constant 0 : i32
      %dma_wait3A_130 = tpu.memref_slice %arg3[%add3A_40, %dma_wait3A_129] : memref<64x2048xf32, #tpu.memory_space<hbm>> -> memref<1x2048xf32, #tpu.memory_space<hbm>>
      %dma_wait3A_131 = tpu.memref_squeeze %dma_wait3A_130 : memref<1x2048xf32, #tpu.memory_space<hbm>> -> memref<2048xf32, #tpu.memory_space<hbm>>
      %dma_wait3A_132 = arith.constant 4096 : i32
      %dma_wait3A_133 = tpu.memref_slice %arg5[%dma_wait3A_132] : memref<16384xf32, #tpu.memory_space<vmem>> -> memref<2048xf32, #tpu.memory_space<vmem>>
      %dma_wait3A_134 = arith.constant 0 : i32
      %dma_wait3A_135 = tpu.memref_slice %arg3[%add3A_40, %dma_wait3A_134] : memref<64x2048xf32, #tpu.memory_space<hbm>> -> memref<1x2048xf32, #tpu.memory_space<hbm>>
      %dma_wait3A_136 = tpu.memref_squeeze %dma_wait3A_135 : memref<1x2048xf32, #tpu.memory_space<hbm>> -> memref<2048xf32, #tpu.memory_space<hbm>>
      tpu.wait_dma2 semaphore(%run_scoped3A : memref<!tpu.dma_semaphore, #tpu.memory_space<semaphore_mem>>) src(%dma_wait3A_136 : memref<2048xf32, #tpu.memory_space<hbm>>) dst(%dma_wait3A_133 : memref<2048xf32, #tpu.memory_space<vmem>>)
      tpu.yield
    }) : () -> ()
    %add3A_41 = arith.constant 3 : i32
    %add3A_42 = arith.addi %mul3A_11, %add3A_41 : i32
    "tpu.region"() ({
      %run_scoped3A = tpu.sem_alloc : memref<!tpu.dma_semaphore, #tpu.memory_space<semaphore_mem>>
      %dma_start3A_117 = arith.constant 6144 : i32
      %dma_start3A_118 = tpu.memref_slice %arg5[%dma_start3A_117] : memref<16384xf32, #tpu.memory_space<vmem>> -> memref<2048xf32, #tpu.memory_space<vmem>>
      %dma_start3A_119 = arith.constant 0 : i32
      %dma_start3A_120 = tpu.memref_slice %arg3[%add3A_42, %dma_start3A_119] : memref<64x2048xf32, #tpu.memory_space<hbm>> -> memref<1x2048xf32, #tpu.memory_space<hbm>>
      %dma_start3A_121 = tpu.memref_squeeze %dma_start3A_120 : memref<1x2048xf32, #tpu.memory_space<hbm>> -> memref<2048xf32, #tpu.memory_space<hbm>>
      %dma_start3A_122 = arith.constant 6144 : i32
      %dma_start3A_123 = tpu.memref_slice %arg5[%dma_start3A_122] : memref<16384xf32, #tpu.memory_space<vmem>> -> memref<2048xf32, #tpu.memory_space<vmem>>
      %dma_start3A_124 = arith.constant 0 : i32
      %dma_start3A_125 = tpu.memref_slice %arg3[%add3A_42, %dma_start3A_124] : memref<64x2048xf32, #tpu.memory_space<hbm>> -> memref<1x2048xf32, #tpu.memory_space<hbm>>
      %dma_start3A_126 = tpu.memref_squeeze %dma_start3A_125 : memref<1x2048xf32, #tpu.memory_space<hbm>> -> memref<2048xf32, #tpu.memory_space<hbm>>
      tpu.enqueue_dma source(%dma_start3A_126 : memref<2048xf32, #tpu.memory_space<hbm>>) target(%dma_start3A_123 : memref<2048xf32, #tpu.memory_space<vmem>>) target_semaphore(%run_scoped3A : memref<!tpu.dma_semaphore, #tpu.memory_space<semaphore_mem>>)
      %dma_wait3A_127 = arith.constant 6144 : i32
      %dma_wait3A_128 = tpu.memref_slice %arg5[%dma_wait3A_127] : memref<16384xf32, #tpu.memory_space<vmem>> -> memref<2048xf32, #tpu.memory_space<vmem>>
      %dma_wait3A_129 = arith.constant 0 : i32
      %dma_wait3A_130 = tpu.memref_slice %arg3[%add3A_42, %dma_wait3A_129] : memref<64x2048xf32, #tpu.memory_space<hbm>> -> memref<1x2048xf32, #tpu.memory_space<hbm>>
      %dma_wait3A_131 = tpu.memref_squeeze %dma_wait3A_130 : memref<1x2048xf32, #tpu.memory_space<hbm>> -> memref<2048xf32, #tpu.memory_space<hbm>>
      %dma_wait3A_132 = arith.constant 6144 : i32
      %dma_wait3A_133 = tpu.memref_slice %arg5[%dma_wait3A_132] : memref<16384xf32, #tpu.memory_space<vmem>> -> memref<2048xf32, #tpu.memory_space<vmem>>
      %dma_wait3A_134 = arith.constant 0 : i32
      %dma_wait3A_135 = tpu.memref_slice %arg3[%add3A_42, %dma_wait3A_134] : memref<64x2048xf32, #tpu.memory_space<hbm>> -> memref<1x2048xf32, #tpu.memory_space<hbm>>
      %dma_wait3A_136 = tpu.memref_squeeze %dma_wait3A_135 : memref<1x2048xf32, #tpu.memory_space<hbm>> -> memref<2048xf32, #tpu.memory_space<hbm>>
      tpu.wait_dma2 semaphore(%run_scoped3A : memref<!tpu.dma_semaphore, #tpu.memory_space<semaphore_mem>>) src(%dma_wait3A_136 : memref<2048xf32, #tpu.memory_space<hbm>>) dst(%dma_wait3A_133 : memref<2048xf32, #tpu.memory_space<vmem>>)
      tpu.yield
    }) : () -> ()
    %add3A_43 = arith.constant 4 : i32
    %add3A_44 = arith.addi %mul3A_11, %add3A_43 : i32
    "tpu.region"() ({
      %run_scoped3A = tpu.sem_alloc : memref<!tpu.dma_semaphore, #tpu.memory_space<semaphore_mem>>
      %dma_start3A_117 = arith.constant 8192 : i32
      %dma_start3A_118 = tpu.memref_slice %arg5[%dma_start3A_117] : memref<16384xf32, #tpu.memory_space<vmem>> -> memref<2048xf32, #tpu.memory_space<vmem>>
      %dma_start3A_119 = arith.constant 0 : i32
      %dma_start3A_120 = tpu.memref_slice %arg3[%add3A_44, %dma_start3A_119] : memref<64x2048xf32, #tpu.memory_space<hbm>> -> memref<1x2048xf32, #tpu.memory_space<hbm>>
      %dma_start3A_121 = tpu.memref_squeeze %dma_start3A_120 : memref<1x2048xf32, #tpu.memory_space<hbm>> -> memref<2048xf32, #tpu.memory_space<hbm>>
      %dma_start3A_122 = arith.constant 8192 : i32
      %dma_start3A_123 = tpu.memref_slice %arg5[%dma_start3A_122] : memref<16384xf32, #tpu.memory_space<vmem>> -> memref<2048xf32, #tpu.memory_space<vmem>>
      %dma_start3A_124 = arith.constant 0 : i32
      %dma_start3A_125 = tpu.memref_slice %arg3[%add3A_44, %dma_start3A_124] : memref<64x2048xf32, #tpu.memory_space<hbm>> -> memref<1x2048xf32, #tpu.memory_space<hbm>>
      %dma_start3A_126 = tpu.memref_squeeze %dma_start3A_125 : memref<1x2048xf32, #tpu.memory_space<hbm>> -> memref<2048xf32, #tpu.memory_space<hbm>>
      tpu.enqueue_dma source(%dma_start3A_126 : memref<2048xf32, #tpu.memory_space<hbm>>) target(%dma_start3A_123 : memref<2048xf32, #tpu.memory_space<vmem>>) target_semaphore(%run_scoped3A : memref<!tpu.dma_semaphore, #tpu.memory_space<semaphore_mem>>)
      %dma_wait3A_127 = arith.constant 8192 : i32
      %dma_wait3A_128 = tpu.memref_slice %arg5[%dma_wait3A_127] : memref<16384xf32, #tpu.memory_space<vmem>> -> memref<2048xf32, #tpu.memory_space<vmem>>
      %dma_wait3A_129 = arith.constant 0 : i32
      %dma_wait3A_130 = tpu.memref_slice %arg3[%add3A_44, %dma_wait3A_129] : memref<64x2048xf32, #tpu.memory_space<hbm>> -> memref<1x2048xf32, #tpu.memory_space<hbm>>
      %dma_wait3A_131 = tpu.memref_squeeze %dma_wait3A_130 : memref<1x2048xf32, #tpu.memory_space<hbm>> -> memref<2048xf32, #tpu.memory_space<hbm>>
      %dma_wait3A_132 = arith.constant 8192 : i32
      %dma_wait3A_133 = tpu.memref_slice %arg5[%dma_wait3A_132] : memref<16384xf32, #tpu.memory_space<vmem>> -> memref<2048xf32, #tpu.memory_space<vmem>>
      %dma_wait3A_134 = arith.constant 0 : i32
      %dma_wait3A_135 = tpu.memref_slice %arg3[%add3A_44, %dma_wait3A_134] : memref<64x2048xf32, #tpu.memory_space<hbm>> -> memref<1x2048xf32, #tpu.memory_space<hbm>>
      %dma_wait3A_136 = tpu.memref_squeeze %dma_wait3A_135 : memref<1x2048xf32, #tpu.memory_space<hbm>> -> memref<2048xf32, #tpu.memory_space<hbm>>
      tpu.wait_dma2 semaphore(%run_scoped3A : memref<!tpu.dma_semaphore, #tpu.memory_space<semaphore_mem>>) src(%dma_wait3A_136 : memref<2048xf32, #tpu.memory_space<hbm>>) dst(%dma_wait3A_133 : memref<2048xf32, #tpu.memory_space<vmem>>)
      tpu.yield
    }) : () -> ()
    %add3A_45 = arith.constant 5 : i32
    %add3A_46 = arith.addi %mul3A_11, %add3A_45 : i32
    "tpu.region"() ({
      %run_scoped3A = tpu.sem_alloc : memref<!tpu.dma_semaphore, #tpu.memory_space<semaphore_mem>>
      %dma_start3A_117 = arith.constant 10240 : i32
      %dma_start3A_118 = tpu.memref_slice %arg5[%dma_start3A_117] : memref<16384xf32, #tpu.memory_space<vmem>> -> memref<2048xf32, #tpu.memory_space<vmem>>
      %dma_start3A_119 = arith.constant 0 : i32
      %dma_start3A_120 = tpu.memref_slice %arg3[%add3A_46, %dma_start3A_119] : memref<64x2048xf32, #tpu.memory_space<hbm>> -> memref<1x2048xf32, #tpu.memory_space<hbm>>
      %dma_start3A_121 = tpu.memref_squeeze %dma_start3A_120 : memref<1x2048xf32, #tpu.memory_space<hbm>> -> memref<2048xf32, #tpu.memory_space<hbm>>
      %dma_start3A_122 = arith.constant 10240 : i32
      %dma_start3A_123 = tpu.memref_slice %arg5[%dma_start3A_122] : memref<16384xf32, #tpu.memory_space<vmem>> -> memref<2048xf32, #tpu.memory_space<vmem>>
      %dma_start3A_124 = arith.constant 0 : i32
      %dma_start3A_125 = tpu.memref_slice %arg3[%add3A_46, %dma_start3A_124] : memref<64x2048xf32, #tpu.memory_space<hbm>> -> memref<1x2048xf32, #tpu.memory_space<hbm>>
      %dma_start3A_126 = tpu.memref_squeeze %dma_start3A_125 : memref<1x2048xf32, #tpu.memory_space<hbm>> -> memref<2048xf32, #tpu.memory_space<hbm>>
      tpu.enqueue_dma source(%dma_start3A_126 : memref<2048xf32, #tpu.memory_space<hbm>>) target(%dma_start3A_123 : memref<2048xf32, #tpu.memory_space<vmem>>) target_semaphore(%run_scoped3A : memref<!tpu.dma_semaphore, #tpu.memory_space<semaphore_mem>>)
      %dma_wait3A_127 = arith.constant 10240 : i32
      %dma_wait3A_128 = tpu.memref_slice %arg5[%dma_wait3A_127] : memref<16384xf32, #tpu.memory_space<vmem>> -> memref<2048xf32, #tpu.memory_space<vmem>>
      %dma_wait3A_129 = arith.constant 0 : i32
      %dma_wait3A_130 = tpu.memref_slice %arg3[%add3A_46, %dma_wait3A_129] : memref<64x2048xf32, #tpu.memory_space<hbm>> -> memref<1x2048xf32, #tpu.memory_space<hbm>>
      %dma_wait3A_131 = tpu.memref_squeeze %dma_wait3A_130 : memref<1x2048xf32, #tpu.memory_space<hbm>> -> memref<2048xf32, #tpu.memory_space<hbm>>
      %dma_wait3A_132 = arith.constant 10240 : i32
      %dma_wait3A_133 = tpu.memref_slice %arg5[%dma_wait3A_132] : memref<16384xf32, #tpu.memory_space<vmem>> -> memref<2048xf32, #tpu.memory_space<vmem>>
      %dma_wait3A_134 = arith.constant 0 : i32
      %dma_wait3A_135 = tpu.memref_slice %arg3[%add3A_46, %dma_wait3A_134] : memref<64x2048xf32, #tpu.memory_space<hbm>> -> memref<1x2048xf32, #tpu.memory_space<hbm>>
      %dma_wait3A_136 = tpu.memref_squeeze %dma_wait3A_135 : memref<1x2048xf32, #tpu.memory_space<hbm>> -> memref<2048xf32, #tpu.memory_space<hbm>>
      tpu.wait_dma2 semaphore(%run_scoped3A : memref<!tpu.dma_semaphore, #tpu.memory_space<semaphore_mem>>) src(%dma_wait3A_136 : memref<2048xf32, #tpu.memory_space<hbm>>) dst(%dma_wait3A_133 : memref<2048xf32, #tpu.memory_space<vmem>>)
      tpu.yield
    }) : () -> ()
    %add3A_47 = arith.constant 6 : i32
    %add3A_48 = arith.addi %mul3A_11, %add3A_47 : i32
    "tpu.region"() ({
      %run_scoped3A = tpu.sem_alloc : memref<!tpu.dma_semaphore, #tpu.memory_space<semaphore_mem>>
      %dma_start3A_117 = arith.constant 12288 : i32
      %dma_start3A_118 = tpu.memref_slice %arg5[%dma_start3A_117] : memref<16384xf32, #tpu.memory_space<vmem>> -> memref<2048xf32, #tpu.memory_space<vmem>>
      %dma_start3A_119 = arith.constant 0 : i32
      %dma_start3A_120 = tpu.memref_slice %arg3[%add3A_48, %dma_start3A_119] : memref<64x2048xf32, #tpu.memory_space<hbm>> -> memref<1x2048xf32, #tpu.memory_space<hbm>>
      %dma_start3A_121 = tpu.memref_squeeze %dma_start3A_120 : memref<1x2048xf32, #tpu.memory_space<hbm>> -> memref<2048xf32, #tpu.memory_space<hbm>>
      %dma_start3A_122 = arith.constant 12288 : i32
      %dma_start3A_123 = tpu.memref_slice %arg5[%dma_start3A_122] : memref<16384xf32, #tpu.memory_space<vmem>> -> memref<2048xf32, #tpu.memory_space<vmem>>
      %dma_start3A_124 = arith.constant 0 : i32
      %dma_start3A_125 = tpu.memref_slice %arg3[%add3A_48, %dma_start3A_124] : memref<64x2048xf32, #tpu.memory_space<hbm>> -> memref<1x2048xf32, #tpu.memory_space<hbm>>
      %dma_start3A_126 = tpu.memref_squeeze %dma_start3A_125 : memref<1x2048xf32, #tpu.memory_space<hbm>> -> memref<2048xf32, #tpu.memory_space<hbm>>
      tpu.enqueue_dma source(%dma_start3A_126 : memref<2048xf32, #tpu.memory_space<hbm>>) target(%dma_start3A_123 : memref<2048xf32, #tpu.memory_space<vmem>>) target_semaphore(%run_scoped3A : memref<!tpu.dma_semaphore, #tpu.memory_space<semaphore_mem>>)
      %dma_wait3A_127 = arith.constant 12288 : i32
      %dma_wait3A_128 = tpu.memref_slice %arg5[%dma_wait3A_127] : memref<16384xf32, #tpu.memory_space<vmem>> -> memref<2048xf32, #tpu.memory_space<vmem>>
      %dma_wait3A_129 = arith.constant 0 : i32
      %dma_wait3A_130 = tpu.memref_slice %arg3[%add3A_48, %dma_wait3A_129] : memref<64x2048xf32, #tpu.memory_space<hbm>> -> memref<1x2048xf32, #tpu.memory_space<hbm>>
      %dma_wait3A_131 = tpu.memref_squeeze %dma_wait3A_130 : memref<1x2048xf32, #tpu.memory_space<hbm>> -> memref<2048xf32, #tpu.memory_space<hbm>>
      %dma_wait3A_132 = arith.constant 12288 : i32
      %dma_wait3A_133 = tpu.memref_slice %arg5[%dma_wait3A_132] : memref<16384xf32, #tpu.memory_space<vmem>> -> memref<2048xf32, #tpu.memory_space<vmem>>
      %dma_wait3A_134 = arith.constant 0 : i32
      %dma_wait3A_135 = tpu.memref_slice %arg3[%add3A_48, %dma_wait3A_134] : memref<64x2048xf32, #tpu.memory_space<hbm>> -> memref<1x2048xf32, #tpu.memory_space<hbm>>
      %dma_wait3A_136 = tpu.memref_squeeze %dma_wait3A_135 : memref<1x2048xf32, #tpu.memory_space<hbm>> -> memref<2048xf32, #tpu.memory_space<hbm>>
      tpu.wait_dma2 semaphore(%run_scoped3A : memref<!tpu.dma_semaphore, #tpu.memory_space<semaphore_mem>>) src(%dma_wait3A_136 : memref<2048xf32, #tpu.memory_space<hbm>>) dst(%dma_wait3A_133 : memref<2048xf32, #tpu.memory_space<vmem>>)
      tpu.yield
    }) : () -> ()
    %add3A_49 = arith.constant 7 : i32
    %add3A_50 = arith.addi %mul3A_11, %add3A_49 : i32
    "tpu.region"() ({
      %run_scoped3A = tpu.sem_alloc : memref<!tpu.dma_semaphore, #tpu.memory_space<semaphore_mem>>
      %dma_start3A_117 = arith.constant 14336 : i32
      %dma_start3A_118 = tpu.memref_slice %arg5[%dma_start3A_117] : memref<16384xf32, #tpu.memory_space<vmem>> -> memref<2048xf32, #tpu.memory_space<vmem>>
      %dma_start3A_119 = arith.constant 0 : i32
      %dma_start3A_120 = tpu.memref_slice %arg3[%add3A_50, %dma_start3A_119] : memref<64x2048xf32, #tpu.memory_space<hbm>> -> memref<1x2048xf32, #tpu.memory_space<hbm>>
      %dma_start3A_121 = tpu.memref_squeeze %dma_start3A_120 : memref<1x2048xf32, #tpu.memory_space<hbm>> -> memref<2048xf32, #tpu.memory_space<hbm>>
      %dma_start3A_122 = arith.constant 14336 : i32
      %dma_start3A_123 = tpu.memref_slice %arg5[%dma_start3A_122] : memref<16384xf32, #tpu.memory_space<vmem>> -> memref<2048xf32, #tpu.memory_space<vmem>>
      %dma_start3A_124 = arith.constant 0 : i32
      %dma_start3A_125 = tpu.memref_slice %arg3[%add3A_50, %dma_start3A_124] : memref<64x2048xf32, #tpu.memory_space<hbm>> -> memref<1x2048xf32, #tpu.memory_space<hbm>>
      %dma_start3A_126 = tpu.memref_squeeze %dma_start3A_125 : memref<1x2048xf32, #tpu.memory_space<hbm>> -> memref<2048xf32, #tpu.memory_space<hbm>>
      tpu.enqueue_dma source(%dma_start3A_126 : memref<2048xf32, #tpu.memory_space<hbm>>) target(%dma_start3A_123 : memref<2048xf32, #tpu.memory_space<vmem>>) target_semaphore(%run_scoped3A : memref<!tpu.dma_semaphore, #tpu.memory_space<semaphore_mem>>)
      %dma_wait3A_127 = arith.constant 14336 : i32
      %dma_wait3A_128 = tpu.memref_slice %arg5[%dma_wait3A_127] : memref<16384xf32, #tpu.memory_space<vmem>> -> memref<2048xf32, #tpu.memory_space<vmem>>
      %dma_wait3A_129 = arith.constant 0 : i32
      %dma_wait3A_130 = tpu.memref_slice %arg3[%add3A_50, %dma_wait3A_129] : memref<64x2048xf32, #tpu.memory_space<hbm>> -> memref<1x2048xf32, #tpu.memory_space<hbm>>
      %dma_wait3A_131 = tpu.memref_squeeze %dma_wait3A_130 : memref<1x2048xf32, #tpu.memory_space<hbm>> -> memref<2048xf32, #tpu.memory_space<hbm>>
      %dma_wait3A_132 = arith.constant 14336 : i32
      %dma_wait3A_133 = tpu.memref_slice %arg5[%dma_wait3A_132] : memref<16384xf32, #tpu.memory_space<vmem>> -> memref<2048xf32, #tpu.memory_space<vmem>>
      %dma_wait3A_134 = arith.constant 0 : i32
      %dma_wait3A_135 = tpu.memref_slice %arg3[%add3A_50, %dma_wait3A_134] : memref<64x2048xf32, #tpu.memory_space<hbm>> -> memref<1x2048xf32, #tpu.memory_space<hbm>>
      %dma_wait3A_136 = tpu.memref_squeeze %dma_wait3A_135 : memref<1x2048xf32, #tpu.memory_space<hbm>> -> memref<2048xf32, #tpu.memory_space<hbm>>
      tpu.wait_dma2 semaphore(%run_scoped3A : memref<!tpu.dma_semaphore, #tpu.memory_space<semaphore_mem>>) src(%dma_wait3A_136 : memref<2048xf32, #tpu.memory_space<hbm>>) dst(%dma_wait3A_133 : memref<2048xf32, #tpu.memory_space<vmem>>)
      tpu.yield
    }) : () -> ()
    %dma_start3A = arith.constant 0 : i32
    %dma_start3A_51 = arith.constant 0 : i32
    %dma_start3A_52 = arith.constant 0 : i32
    %dma_start3A_53 = tpu.memref_slice %arg6[%dma_start3A, %dma_start3A_52] : memref<2x4096xi32, #tpu.memory_space<vmem>> -> memref<1x4096xi32, #tpu.memory_space<vmem>>
    %dma_start3A_54 = tpu.memref_squeeze %dma_start3A_53 : memref<1x4096xi32, #tpu.memory_space<vmem>> -> memref<4096xi32, #tpu.memory_space<vmem>>
    %dma_start3A_55 = arith.constant 0 : i32
    %dma_start3A_56 = tpu.memref_slice %arg2[%mul3A_34, %dma_start3A_55] : memref<200x4096xi32, #tpu.memory_space<hbm>> -> memref<1x4096xi32, #tpu.memory_space<hbm>>
    %dma_start3A_57 = tpu.memref_squeeze %dma_start3A_56 : memref<1x4096xi32, #tpu.memory_space<hbm>> -> memref<4096xi32, #tpu.memory_space<hbm>>
    %dma_start3A_58 = tpu.memref_slice %arg9[%dma_start3A_51] : memref<2x!tpu.dma_semaphore, #tpu.memory_space<semaphore_mem>> -> memref<1x!tpu.dma_semaphore, #tpu.memory_space<semaphore_mem>>
    %dma_start3A_59 = tpu.memref_squeeze %dma_start3A_58 : memref<1x!tpu.dma_semaphore, #tpu.memory_space<semaphore_mem>> -> memref<!tpu.dma_semaphore, #tpu.memory_space<semaphore_mem>>
    %dma_start3A_60 = arith.constant 0 : i32
    %dma_start3A_61 = tpu.memref_slice %arg6[%dma_start3A, %dma_start3A_60] : memref<2x4096xi32, #tpu.memory_space<vmem>> -> memref<1x4096xi32, #tpu.memory_space<vmem>>
    %dma_start3A_62 = tpu.memref_squeeze %dma_start3A_61 : memref<1x4096xi32, #tpu.memory_space<vmem>> -> memref<4096xi32, #tpu.memory_space<vmem>>
    %dma_start3A_63 = arith.constant 0 : i32
    %dma_start3A_64 = tpu.memref_slice %arg2[%mul3A_34, %dma_start3A_63] : memref<200x4096xi32, #tpu.memory_space<hbm>> -> memref<1x4096xi32, #tpu.memory_space<hbm>>
    %dma_start3A_65 = tpu.memref_squeeze %dma_start3A_64 : memref<1x4096xi32, #tpu.memory_space<hbm>> -> memref<4096xi32, #tpu.memory_space<hbm>>
    tpu.enqueue_dma source(%dma_start3A_65 : memref<4096xi32, #tpu.memory_space<hbm>>) target(%dma_start3A_62 : memref<4096xi32, #tpu.memory_space<vmem>>) target_semaphore(%dma_start3A_59 : memref<!tpu.dma_semaphore, #tpu.memory_space<semaphore_mem>>)
    %scan3A = arith.constant 0 : i32
    %scan3A_66 = arith.constant 25 : i32
    %scan3A_67 = arith.addi %scan3A, %scan3A_66 : i32
    %scan3A_68 = arith.constant 1 : i32
    scf.for %scan3A_117 = %scan3A to %scan3A_67 step %scan3A_68  : i32 {
      %mul3A_118 = arith.constant 2 : i32
      %mul3A_119 = arith.muli %scan3A_117, %mul3A_118 : i32
      %add3A_120 = arith.constant 0 : i32
      %add3A_121 = arith.addi %add3A_120, %mul3A_119 : i32
      %add3A_122 = arith.addi %mul3A_34, %add3A_121 : i32
      %add3A_123 = arith.constant 0 : i32
      %add3A_124 = arith.addi %add3A_122, %add3A_123 : i32
      %dma_wait3A_125 = arith.constant 0 : i32
      %dma_wait3A_126 = arith.constant 0 : i32
      %dma_wait3A_127 = arith.constant 0 : i32
      %dma_wait3A_128 = tpu.memref_slice %arg6[%dma_wait3A_125, %dma_wait3A_127] : memref<2x4096xi32, #tpu.memory_space<vmem>> -> memref<1x4096xi32, #tpu.memory_space<vmem>>
      %dma_wait3A_129 = tpu.memref_squeeze %dma_wait3A_128 : memref<1x4096xi32, #tpu.memory_space<vmem>> -> memref<4096xi32, #tpu.memory_space<vmem>>
      %dma_wait3A_130 = arith.constant 0 : i32
      %dma_wait3A_131 = tpu.memref_slice %arg2[%add3A_124, %dma_wait3A_130] : memref<200x4096xi32, #tpu.memory_space<hbm>> -> memref<1x4096xi32, #tpu.memory_space<hbm>>
      %dma_wait3A_132 = tpu.memref_squeeze %dma_wait3A_131 : memref<1x4096xi32, #tpu.memory_space<hbm>> -> memref<4096xi32, #tpu.memory_space<hbm>>
      %dma_wait3A_133 = tpu.memref_slice %arg9[%dma_wait3A_126] : memref<2x!tpu.dma_semaphore, #tpu.memory_space<semaphore_mem>> -> memref<1x!tpu.dma_semaphore, #tpu.memory_space<semaphore_mem>>
      %dma_wait3A_134 = tpu.memref_squeeze %dma_wait3A_133 : memref<1x!tpu.dma_semaphore, #tpu.memory_space<semaphore_mem>> -> memref<!tpu.dma_semaphore, #tpu.memory_space<semaphore_mem>>
      %dma_wait3A_135 = arith.constant 0 : i32
      %dma_wait3A_136 = tpu.memref_slice %arg6[%dma_wait3A_125, %dma_wait3A_135] : memref<2x4096xi32, #tpu.memory_space<vmem>> -> memref<1x4096xi32, #tpu.memory_space<vmem>>
      %dma_wait3A_137 = tpu.memref_squeeze %dma_wait3A_136 : memref<1x4096xi32, #tpu.memory_space<vmem>> -> memref<4096xi32, #tpu.memory_space<vmem>>
      %dma_wait3A_138 = arith.constant 0 : i32
      %dma_wait3A_139 = tpu.memref_slice %arg2[%add3A_124, %dma_wait3A_138] : memref<200x4096xi32, #tpu.memory_space<hbm>> -> memref<1x4096xi32, #tpu.memory_space<hbm>>
      %dma_wait3A_140 = tpu.memref_squeeze %dma_wait3A_139 : memref<1x4096xi32, #tpu.memory_space<hbm>> -> memref<4096xi32, #tpu.memory_space<hbm>>
      tpu.wait_dma2 semaphore(%dma_wait3A_134 : memref<!tpu.dma_semaphore, #tpu.memory_space<semaphore_mem>>) src(%dma_wait3A_140 : memref<4096xi32, #tpu.memory_space<hbm>>) dst(%dma_wait3A_137 : memref<4096xi32, #tpu.memory_space<vmem>>)
      %add3A_141 = arith.constant 0 : i32
      %add3A_142 = arith.addi %add3A_121, %add3A_141 : i32
      %add3A_143 = arith.constant 1 : i32
      %add3A_144 = arith.addi %add3A_142, %add3A_143 : i32
      %lt3A_145 = arith.constant 50 : i32
      %lt3A_146 = arith.cmpi slt, %add3A_144, %lt3A_145 : i32
      %convert_element_type3A = arith.extui %lt3A_146 : i1 to i32
      %cond3A = arith.constant 0 : i32
      %cond3A_147 = arith.cmpi ne, %convert_element_type3A, %cond3A : i32
      scf.if %cond3A_147 {
        %add3A_230 = arith.constant 1 : i32
        %add3A_231 = arith.addi %add3A_124, %add3A_230 : i32
        %dma_start3A_232 = arith.constant 1 : i32
        %dma_start3A_233 = arith.constant 1 : i32
        %dma_start3A_234 = arith.constant 0 : i32
        %dma_start3A_235 = tpu.memref_slice %arg6[%dma_start3A_232, %dma_start3A_234] : memref<2x4096xi32, #tpu.memory_space<vmem>> -> memref<1x4096xi32, #tpu.memory_space<vmem>>
        %dma_start3A_236 = tpu.memref_squeeze %dma_start3A_235 : memref<1x4096xi32, #tpu.memory_space<vmem>> -> memref<4096xi32, #tpu.memory_space<vmem>>
        %dma_start3A_237 = arith.constant 0 : i32
        %dma_start3A_238 = tpu.memref_slice %arg2[%add3A_231, %dma_start3A_237] : memref<200x4096xi32, #tpu.memory_space<hbm>> -> memref<1x4096xi32, #tpu.memory_space<hbm>>
        %dma_start3A_239 = tpu.memref_squeeze %dma_start3A_238 : memref<1x4096xi32, #tpu.memory_space<hbm>> -> memref<4096xi32, #tpu.memory_space<hbm>>
        %dma_start3A_240 = tpu.memref_slice %arg9[%dma_start3A_233] : memref<2x!tpu.dma_semaphore, #tpu.memory_space<semaphore_mem>> -> memref<1x!tpu.dma_semaphore, #tpu.memory_space<semaphore_mem>>
        %dma_start3A_241 = tpu.memref_squeeze %dma_start3A_240 : memref<1x!tpu.dma_semaphore, #tpu.memory_space<semaphore_mem>> -> memref<!tpu.dma_semaphore, #tpu.memory_space<semaphore_mem>>
        %dma_start3A_242 = arith.constant 0 : i32
        %dma_start3A_243 = tpu.memref_slice %arg6[%dma_start3A_232, %dma_start3A_242] : memref<2x4096xi32, #tpu.memory_space<vmem>> -> memref<1x4096xi32, #tpu.memory_space<vmem>>
        %dma_start3A_244 = tpu.memref_squeeze %dma_start3A_243 : memref<1x4096xi32, #tpu.memory_space<vmem>> -> memref<4096xi32, #tpu.memory_space<vmem>>
        %dma_start3A_245 = arith.constant 0 : i32
        %dma_start3A_246 = tpu.memref_slice %arg2[%add3A_231, %dma_start3A_245] : memref<200x4096xi32, #tpu.memory_space<hbm>> -> memref<1x4096xi32, #tpu.memory_space<hbm>>
        %dma_start3A_247 = tpu.memref_squeeze %dma_start3A_246 : memref<1x4096xi32, #tpu.memory_space<hbm>> -> memref<4096xi32, #tpu.memory_space<hbm>>
        tpu.enqueue_dma source(%dma_start3A_247 : memref<4096xi32, #tpu.memory_space<hbm>>) target(%dma_start3A_244 : memref<4096xi32, #tpu.memory_space<vmem>>) target_semaphore(%dma_start3A_241 : memref<!tpu.dma_semaphore, #tpu.memory_space<semaphore_mem>>)
      } else {
      }
      %add3A_148 = arith.constant 0 : i32
      %add3A_149 = arith.addi %add3A_121, %add3A_148 : i32
      %ge3A = arith.constant 2 : i32
      %ge3A_150 = arith.cmpi sge, %add3A_149, %ge3A : i32
      %convert_element_type3A_151 = arith.extui %ge3A_150 : i1 to i32
      %cond3A_152 = arith.constant 0 : i32
      %cond3A_153 = arith.cmpi ne, %convert_element_type3A_151, %cond3A_152 : i32
      scf.if %cond3A_153 {
        %sub3A_230 = arith.constant 2 : i32
        %sub3A_231 = arith.subi %add3A_124, %sub3A_230 : i32
        %dma_wait3A_232 = arith.constant 0 : i32
        %dma_wait3A_233 = arith.constant 0 : i32
        %dma_wait3A_234 = arith.constant 0 : i32
        %dma_wait3A_235 = arith.constant 0 : i32
        %dma_wait3A_236 = tpu.memref_slice %arg7[%dma_wait3A_232, %dma_wait3A_234, %dma_wait3A_235] : memref<2x8x4096xf32, #tpu.memory_space<vmem>> -> memref<1x8x4096xf32, #tpu.memory_space<vmem>>
        %dma_wait3A_237 = tpu.memref_squeeze %dma_wait3A_236 : memref<1x8x4096xf32, #tpu.memory_space<vmem>> -> memref<8x4096xf32, #tpu.memory_space<vmem>>
        %dma_wait3A_238 = arith.constant 0 : i32
        %dma_wait3A_239 = tpu.memref_slice %arg4[%sub3A_231, %mul3A_11, %dma_wait3A_238] : memref<200x64x4096xf32, #tpu.memory_space<hbm>> -> memref<1x8x4096xf32, #tpu.memory_space<hbm>>
        %dma_wait3A_240 = tpu.memref_squeeze %dma_wait3A_239 : memref<1x8x4096xf32, #tpu.memory_space<hbm>> -> memref<8x4096xf32, #tpu.memory_space<hbm>>
        %dma_wait3A_241 = tpu.memref_slice %arg8[%dma_wait3A_233] : memref<2x!tpu.dma_semaphore, #tpu.memory_space<semaphore_mem>> -> memref<1x!tpu.dma_semaphore, #tpu.memory_space<semaphore_mem>>
        %dma_wait3A_242 = tpu.memref_squeeze %dma_wait3A_241 : memref<1x!tpu.dma_semaphore, #tpu.memory_space<semaphore_mem>> -> memref<!tpu.dma_semaphore, #tpu.memory_space<semaphore_mem>>
        %dma_wait3A_243 = arith.constant 0 : i32
        %dma_wait3A_244 = tpu.memref_slice %arg4[%sub3A_231, %mul3A_11, %dma_wait3A_243] : memref<200x64x4096xf32, #tpu.memory_space<hbm>> -> memref<1x8x4096xf32, #tpu.memory_space<hbm>>
        %dma_wait3A_245 = tpu.memref_squeeze %dma_wait3A_244 : memref<1x8x4096xf32, #tpu.memory_space<hbm>> -> memref<8x4096xf32, #tpu.memory_space<hbm>>
        %dma_wait3A_246 = arith.constant 0 : i32
        %dma_wait3A_247 = arith.constant 0 : i32
        %dma_wait3A_248 = tpu.memref_slice %arg7[%dma_wait3A_232, %dma_wait3A_246, %dma_wait3A_247] : memref<2x8x4096xf32, #tpu.memory_space<vmem>> -> memref<1x8x4096xf32, #tpu.memory_space<vmem>>
        %dma_wait3A_249 = tpu.memref_squeeze %dma_wait3A_248 : memref<1x8x4096xf32, #tpu.memory_space<vmem>> -> memref<8x4096xf32, #tpu.memory_space<vmem>>
        tpu.wait_dma2 semaphore(%dma_wait3A_242 : memref<!tpu.dma_semaphore, #tpu.memory_space<semaphore_mem>>) src(%dma_wait3A_249 : memref<8x4096xf32, #tpu.memory_space<vmem>>) dst(%dma_wait3A_245 : memref<8x4096xf32, #tpu.memory_space<hbm>>)
      } else {
      }
      %parallel_loop3A = arith.constant 0 : i32
      %parallel_loop3A_154 = arith.constant 4096 : i32
      %parallel_loop3A_155 = arith.constant 16 : i32
      scf.for %parallel_loop3A_230 = %parallel_loop3A to %parallel_loop3A_154 step %parallel_loop3A_155  : i32 {
        %parallel_loop3A_231 = arith.constant 0 : i32
        %parallel_loop3A_232 = arith.index_cast %parallel_loop3A_231 : i32 to index
        %parallel_loop3A_233 = arith.index_cast %parallel_loop3A_230 : i32 to index
        %parallel_loop3A_234 = tpu.vector_load %arg6[%parallel_loop3A_232, %parallel_loop3A_233] {strides = array<i32>} : memref<2x4096xi32, #tpu.memory_space<vmem>>, vector<16xi32>,
        %parallel_loop3A_235 = arith.constant 0 : i32
        %parallel_loop3A_236 = vector.broadcast %parallel_loop3A_235 : i32 to vector<16xi32>
        %parallel_loop3A_237 = arith.addi %parallel_loop3A_234, %parallel_loop3A_236 : vector<16xi32>
        %parallel_loop3A_238 = tpu.vector_load_idx %arg5[%parallel_loop3A_237] : memref<16384xf32, #tpu.memory_space<vmem>>[vector<16xi32>], vector<16xf32>,
        %parallel_loop3A_239 = arith.constant 0 : i32
        %parallel_loop3A_240 = arith.constant 0 : i32
        %parallel_loop3A_241 = arith.index_cast %parallel_loop3A_239 : i32 to index
        %parallel_loop3A_242 = arith.index_cast %parallel_loop3A_240 : i32 to index
        %parallel_loop3A_243 = arith.index_cast %parallel_loop3A_230 : i32 to index
        %parallel_loop3A_244 = tpu.vector_load %arg7[%parallel_loop3A_241, %parallel_loop3A_242, %parallel_loop3A_243] {strides = array<i32>} : memref<2x8x4096xf32, #tpu.memory_space<vmem>>, vector<16xf32>,
        tpu.vector_store %arg7[%parallel_loop3A_241, %parallel_loop3A_242, %parallel_loop3A_243], %parallel_loop3A_238 {strides = array<i32>} : memref<2x8x4096xf32, #tpu.memory_space<vmem>>, vector<16xf32>,
        %parallel_loop3A_245 = arith.constant 2048 : i32
        %parallel_loop3A_246 = vector.broadcast %parallel_loop3A_245 : i32 to vector<16xi32>
        %parallel_loop3A_247 = arith.addi %parallel_loop3A_234, %parallel_loop3A_246 : vector<16xi32>
        %parallel_loop3A_248 = tpu.vector_load_idx %arg5[%parallel_loop3A_247] : memref<16384xf32, #tpu.memory_space<vmem>>[vector<16xi32>], vector<16xf32>,
        %parallel_loop3A_249 = arith.constant 0 : i32
        %parallel_loop3A_250 = arith.constant 1 : i32
        %parallel_loop3A_251 = arith.index_cast %parallel_loop3A_249 : i32 to index
        %parallel_loop3A_252 = arith.index_cast %parallel_loop3A_250 : i32 to index
        %parallel_loop3A_253 = arith.index_cast %parallel_loop3A_230 : i32 to index
        %parallel_loop3A_254 = tpu.vector_load %arg7[%parallel_loop3A_251, %parallel_loop3A_252, %parallel_loop3A_253] {strides = array<i32>} : memref<2x8x4096xf32, #tpu.memory_space<vmem>>, vector<16xf32>,
        tpu.vector_store %arg7[%parallel_loop3A_251, %parallel_loop3A_252, %parallel_loop3A_253], %parallel_loop3A_248 {strides = array<i32>} : memref<2x8x4096xf32, #tpu.memory_space<vmem>>, vector<16xf32>,
        %parallel_loop3A_255 = arith.constant 4096 : i32
        %parallel_loop3A_256 = vector.broadcast %parallel_loop3A_255 : i32 to vector<16xi32>
        %parallel_loop3A_257 = arith.addi %parallel_loop3A_234, %parallel_loop3A_256 : vector<16xi32>
        %parallel_loop3A_258 = tpu.vector_load_idx %arg5[%parallel_loop3A_257] : memref<16384xf32, #tpu.memory_space<vmem>>[vector<16xi32>], vector<16xf32>,
        %parallel_loop3A_259 = arith.constant 0 : i32
        %parallel_loop3A_260 = arith.constant 2 : i32
        %parallel_loop3A_261 = arith.index_cast %parallel_loop3A_259 : i32 to index
        %parallel_loop3A_262 = arith.index_cast %parallel_loop3A_260 : i32 to index
        %parallel_loop3A_263 = arith.index_cast %parallel_loop3A_230 : i32 to index
        %parallel_loop3A_264 = tpu.vector_load %arg7[%parallel_loop3A_261, %parallel_loop3A_262, %parallel_loop3A_263] {strides = array<i32>} : memref<2x8x4096xf32, #tpu.memory_space<vmem>>, vector<16xf32>,
        tpu.vector_store %arg7[%parallel_loop3A_261, %parallel_loop3A_262, %parallel_loop3A_263], %parallel_loop3A_258 {strides = array<i32>} : memref<2x8x4096xf32, #tpu.memory_space<vmem>>, vector<16xf32>,
        %parallel_loop3A_265 = arith.constant 6144 : i32
        %parallel_loop3A_266 = vector.broadcast %parallel_loop3A_265 : i32 to vector<16xi32>
        %parallel_loop3A_267 = arith.addi %parallel_loop3A_234, %parallel_loop3A_266 : vector<16xi32>
        %parallel_loop3A_268 = tpu.vector_load_idx %arg5[%parallel_loop3A_267] : memref<16384xf32, #tpu.memory_space<vmem>>[vector<16xi32>], vector<16xf32>,
        %parallel_loop3A_269 = arith.constant 0 : i32
        %parallel_loop3A_270 = arith.constant 3 : i32
        %parallel_loop3A_271 = arith.index_cast %parallel_loop3A_269 : i32 to index
        %parallel_loop3A_272 = arith.index_cast %parallel_loop3A_270 : i32 to index
        %parallel_loop3A_273 = arith.index_cast %parallel_loop3A_230 : i32 to index
        %parallel_loop3A_274 = tpu.vector_load %arg7[%parallel_loop3A_271, %parallel_loop3A_272, %parallel_loop3A_273] {strides = array<i32>} : memref<2x8x4096xf32, #tpu.memory_space<vmem>>, vector<16xf32>,
        tpu.vector_store %arg7[%parallel_loop3A_271, %parallel_loop3A_272, %parallel_loop3A_273], %parallel_loop3A_268 {strides = array<i32>} : memref<2x8x4096xf32, #tpu.memory_space<vmem>>, vector<16xf32>,
        %parallel_loop3A_275 = arith.constant 8192 : i32
        %parallel_loop3A_276 = vector.broadcast %parallel_loop3A_275 : i32 to vector<16xi32>
        %parallel_loop3A_277 = arith.addi %parallel_loop3A_234, %parallel_loop3A_276 : vector<16xi32>
        %parallel_loop3A_278 = tpu.vector_load_idx %arg5[%parallel_loop3A_277] : memref<16384xf32, #tpu.memory_space<vmem>>[vector<16xi32>], vector<16xf32>,
        %parallel_loop3A_279 = arith.constant 0 : i32
        %parallel_loop3A_280 = arith.constant 4 : i32
        %parallel_loop3A_281 = arith.index_cast %parallel_loop3A_279 : i32 to index
        %parallel_loop3A_282 = arith.index_cast %parallel_loop3A_280 : i32 to index
        %parallel_loop3A_283 = arith.index_cast %parallel_loop3A_230 : i32 to index
        %parallel_loop3A_284 = tpu.vector_load %arg7[%parallel_loop3A_281, %parallel_loop3A_282, %parallel_loop3A_283] {strides = array<i32>} : memref<2x8x4096xf32, #tpu.memory_space<vmem>>, vector<16xf32>,
        tpu.vector_store %arg7[%parallel_loop3A_281, %parallel_loop3A_282, %parallel_loop3A_283], %parallel_loop3A_278 {strides = array<i32>} : memref<2x8x4096xf32, #tpu.memory_space<vmem>>, vector<16xf32>,
        %parallel_loop3A_285 = arith.constant 10240 : i32
        %parallel_loop3A_286 = vector.broadcast %parallel_loop3A_285 : i32 to vector<16xi32>
        %parallel_loop3A_287 = arith.addi %parallel_loop3A_234, %parallel_loop3A_286 : vector<16xi32>
        %parallel_loop3A_288 = tpu.vector_load_idx %arg5[%parallel_loop3A_287] : memref<16384xf32, #tpu.memory_space<vmem>>[vector<16xi32>], vector<16xf32>,
        %parallel_loop3A_289 = arith.constant 0 : i32
        %parallel_loop3A_290 = arith.constant 5 : i32
        %parallel_loop3A_291 = arith.index_cast %parallel_loop3A_289 : i32 to index
        %parallel_loop3A_292 = arith.index_cast %parallel_loop3A_290 : i32 to index
        %parallel_loop3A_293 = arith.index_cast %parallel_loop3A_230 : i32 to index
        %parallel_loop3A_294 = tpu.vector_load %arg7[%parallel_loop3A_291, %parallel_loop3A_292, %parallel_loop3A_293] {strides = array<i32>} : memref<2x8x4096xf32, #tpu.memory_space<vmem>>, vector<16xf32>,
        tpu.vector_store %arg7[%parallel_loop3A_291, %parallel_loop3A_292, %parallel_loop3A_293], %parallel_loop3A_288 {strides = array<i32>} : memref<2x8x4096xf32, #tpu.memory_space<vmem>>, vector<16xf32>,
        %parallel_loop3A_295 = arith.constant 12288 : i32
        %parallel_loop3A_296 = vector.broadcast %parallel_loop3A_295 : i32 to vector<16xi32>
        %parallel_loop3A_297 = arith.addi %parallel_loop3A_234, %parallel_loop3A_296 : vector<16xi32>
        %parallel_loop3A_298 = tpu.vector_load_idx %arg5[%parallel_loop3A_297] : memref<16384xf32, #tpu.memory_space<vmem>>[vector<16xi32>], vector<16xf32>,
        %parallel_loop3A_299 = arith.constant 0 : i32
        %parallel_loop3A_300 = arith.constant 6 : i32
        %parallel_loop3A_301 = arith.index_cast %parallel_loop3A_299 : i32 to index
        %parallel_loop3A_302 = arith.index_cast %parallel_loop3A_300 : i32 to index
        %parallel_loop3A_303 = arith.index_cast %parallel_loop3A_230 : i32 to index
        %parallel_loop3A_304 = tpu.vector_load %arg7[%parallel_loop3A_301, %parallel_loop3A_302, %parallel_loop3A_303] {strides = array<i32>} : memref<2x8x4096xf32, #tpu.memory_space<vmem>>, vector<16xf32>,
        tpu.vector_store %arg7[%parallel_loop3A_301, %parallel_loop3A_302, %parallel_loop3A_303], %parallel_loop3A_298 {strides = array<i32>} : memref<2x8x4096xf32, #tpu.memory_space<vmem>>, vector<16xf32>,
        %parallel_loop3A_305 = arith.constant 14336 : i32
        %parallel_loop3A_306 = vector.broadcast %parallel_loop3A_305 : i32 to vector<16xi32>
        %parallel_loop3A_307 = arith.addi %parallel_loop3A_234, %parallel_loop3A_306 : vector<16xi32>
        %parallel_loop3A_308 = tpu.vector_load_idx %arg5[%parallel_loop3A_307] : memref<16384xf32, #tpu.memory_space<vmem>>[vector<16xi32>], vector<16xf32>,
        %parallel_loop3A_309 = arith.constant 0 : i32
        %parallel_loop3A_310 = arith.constant 7 : i32
        %parallel_loop3A_311 = arith.index_cast %parallel_loop3A_309 : i32 to index
        %parallel_loop3A_312 = arith.index_cast %parallel_loop3A_310 : i32 to index
        %parallel_loop3A_313 = arith.index_cast %parallel_loop3A_230 : i32 to index
        %parallel_loop3A_314 = tpu.vector_load %arg7[%parallel_loop3A_311, %parallel_loop3A_312, %parallel_loop3A_313] {strides = array<i32>} : memref<2x8x4096xf32, #tpu.memory_space<vmem>>, vector<16xf32>,
        tpu.vector_store %arg7[%parallel_loop3A_311, %parallel_loop3A_312, %parallel_loop3A_313], %parallel_loop3A_308 {strides = array<i32>} : memref<2x8x4096xf32, #tpu.memory_space<vmem>>, vector<16xf32>,
      } {sc.loop_unroll_factor = 8 : i64, sc.parallel_access}
      %dma_start3A_156 = arith.constant 0 : i32
      %dma_start3A_157 = arith.constant 0 : i32
      %dma_start3A_158 = arith.constant 0 : i32
      %dma_start3A_159 = arith.constant 0 : i32
      %dma_start3A_160 = tpu.memref_slice %arg7[%dma_start3A_156, %dma_start3A_158, %dma_start3A_159] : memref<2x8x4096xf32, #tpu.memory_space<vmem>> -> memref<1x8x4096xf32, #tpu.memory_space<vmem>>
      %dma_start3A_161 = tpu.memref_squeeze %dma_start3A_160 : memref<1x8x4096xf32, #tpu.memory_space<vmem>> -> memref<8x4096xf32, #tpu.memory_space<vmem>>
      %dma_start3A_162 = arith.constant 0 : i32
      %dma_start3A_163 = tpu.memref_slice %arg4[%add3A_124, %mul3A_11, %dma_start3A_162] : memref<200x64x4096xf32, #tpu.memory_space<hbm>> -> memref<1x8x4096xf32, #tpu.memory_space<hbm>>
      %dma_start3A_164 = tpu.memref_squeeze %dma_start3A_163 : memref<1x8x4096xf32, #tpu.memory_space<hbm>> -> memref<8x4096xf32, #tpu.memory_space<hbm>>
      %dma_start3A_165 = tpu.memref_slice %arg8[%dma_start3A_157] : memref<2x!tpu.dma_semaphore, #tpu.memory_space<semaphore_mem>> -> memref<1x!tpu.dma_semaphore, #tpu.memory_space<semaphore_mem>>
      %dma_start3A_166 = tpu.memref_squeeze %dma_start3A_165 : memref<1x!tpu.dma_semaphore, #tpu.memory_space<semaphore_mem>> -> memref<!tpu.dma_semaphore, #tpu.memory_space<semaphore_mem>>
      %dma_start3A_167 = arith.constant 0 : i32
      %dma_start3A_168 = tpu.memref_slice %arg4[%add3A_124, %mul3A_11, %dma_start3A_167] : memref<200x64x4096xf32, #tpu.memory_space<hbm>> -> memref<1x8x4096xf32, #tpu.memory_space<hbm>>
      %dma_start3A_169 = tpu.memref_squeeze %dma_start3A_168 : memref<1x8x4096xf32, #tpu.memory_space<hbm>> -> memref<8x4096xf32, #tpu.memory_space<hbm>>
      %dma_start3A_170 = arith.constant 0 : i32
      %dma_start3A_171 = arith.constant 0 : i32
      %dma_start3A_172 = tpu.memref_slice %arg7[%dma_start3A_156, %dma_start3A_170, %dma_start3A_171] : memref<2x8x4096xf32, #tpu.memory_space<vmem>> -> memref<1x8x4096xf32, #tpu.memory_space<vmem>>
      %dma_start3A_173 = tpu.memref_squeeze %dma_start3A_172 : memref<1x8x4096xf32, #tpu.memory_space<vmem>> -> memref<8x4096xf32, #tpu.memory_space<vmem>>
      tpu.enqueue_dma source(%dma_start3A_173 : memref<8x4096xf32, #tpu.memory_space<vmem>>) target(%dma_start3A_169 : memref<8x4096xf32, #tpu.memory_space<hbm>>) target_semaphore(%dma_start3A_166 : memref<!tpu.dma_semaphore, #tpu.memory_space<semaphore_mem>>)
      %add3A_174 = arith.addi %mul3A_34, %add3A_121 : i32
      %add3A_175 = arith.constant 1 : i32
      %add3A_176 = arith.addi %add3A_174, %add3A_175 : i32
      %dma_wait3A_177 = arith.constant 1 : i32
      %dma_wait3A_178 = arith.constant 1 : i32
      %dma_wait3A_179 = arith.constant 0 : i32
      %dma_wait3A_180 = tpu.memref_slice %arg6[%dma_wait3A_177, %dma_wait3A_179] : memref<2x4096xi32, #tpu.memory_space<vmem>> -> memref<1x4096xi32, #tpu.memory_space<vmem>>
      %dma_wait3A_181 = tpu.memref_squeeze %dma_wait3A_180 : memref<1x4096xi32, #tpu.memory_space<vmem>> -> memref<4096xi32, #tpu.memory_space<vmem>>
      %dma_wait3A_182 = arith.constant 0 : i32
      %dma_wait3A_183 = tpu.memref_slice %arg2[%add3A_176, %dma_wait3A_182] : memref<200x4096xi32, #tpu.memory_space<hbm>> -> memref<1x4096xi32, #tpu.memory_space<hbm>>
      %dma_wait3A_184 = tpu.memref_squeeze %dma_wait3A_183 : memref<1x4096xi32, #tpu.memory_space<hbm>> -> memref<4096xi32, #tpu.memory_space<hbm>>
      %dma_wait3A_185 = tpu.memref_slice %arg9[%dma_wait3A_178] : memref<2x!tpu.dma_semaphore, #tpu.memory_space<semaphore_mem>> -> memref<1x!tpu.dma_semaphore, #tpu.memory_space<semaphore_mem>>
      %dma_wait3A_186 = tpu.memref_squeeze %dma_wait3A_185 : memref<1x!tpu.dma_semaphore, #tpu.memory_space<semaphore_mem>> -> memref<!tpu.dma_semaphore, #tpu.memory_space<semaphore_mem>>
      %dma_wait3A_187 = arith.constant 0 : i32
      %dma_wait3A_188 = tpu.memref_slice %arg6[%dma_wait3A_177, %dma_wait3A_187] : memref<2x4096xi32, #tpu.memory_space<vmem>> -> memref<1x4096xi32, #tpu.memory_space<vmem>>
      %dma_wait3A_189 = tpu.memref_squeeze %dma_wait3A_188 : memref<1x4096xi32, #tpu.memory_space<vmem>> -> memref<4096xi32, #tpu.memory_space<vmem>>
      %dma_wait3A_190 = arith.constant 0 : i32
      %dma_wait3A_191 = tpu.memref_slice %arg2[%add3A_176, %dma_wait3A_190] : memref<200x4096xi32, #tpu.memory_space<hbm>> -> memref<1x4096xi32, #tpu.memory_space<hbm>>
      %dma_wait3A_192 = tpu.memref_squeeze %dma_wait3A_191 : memref<1x4096xi32, #tpu.memory_space<hbm>> -> memref<4096xi32, #tpu.memory_space<hbm>>
      tpu.wait_dma2 semaphore(%dma_wait3A_186 : memref<!tpu.dma_semaphore, #tpu.memory_space<semaphore_mem>>) src(%dma_wait3A_192 : memref<4096xi32, #tpu.memory_space<hbm>>) dst(%dma_wait3A_189 : memref<4096xi32, #tpu.memory_space<vmem>>)
      %add3A_193 = arith.constant 1 : i32
      %add3A_194 = arith.addi %add3A_121, %add3A_193 : i32
      %add3A_195 = arith.constant 1 : i32
      %add3A_196 = arith.addi %add3A_194, %add3A_195 : i32
      %lt3A_197 = arith.constant 50 : i32
      %lt3A_198 = arith.cmpi slt, %add3A_196, %lt3A_197 : i32
      %convert_element_type3A_199 = arith.extui %lt3A_198 : i1 to i32
      %cond3A_200 = arith.constant 0 : i32
      %cond3A_201 = arith.cmpi ne, %convert_element_type3A_199, %cond3A_200 : i32
      scf.if %cond3A_201 {
        %add3A_230 = arith.constant 1 : i32
        %add3A_231 = arith.addi %add3A_176, %add3A_230 : i32
        %dma_start3A_232 = arith.constant 0 : i32
        %dma_start3A_233 = arith.constant 0 : i32
        %dma_start3A_234 = arith.constant 0 : i32
        %dma_start3A_235 = tpu.memref_slice %arg6[%dma_start3A_232, %dma_start3A_234] : memref<2x4096xi32, #tpu.memory_space<vmem>> -> memref<1x4096xi32, #tpu.memory_space<vmem>>
        %dma_start3A_236 = tpu.memref_squeeze %dma_start3A_235 : memref<1x4096xi32, #tpu.memory_space<vmem>> -> memref<4096xi32, #tpu.memory_space<vmem>>
        %dma_start3A_237 = arith.constant 0 : i32
        %dma_start3A_238 = tpu.memref_slice %arg2[%add3A_231, %dma_start3A_237] : memref<200x4096xi32, #tpu.memory_space<hbm>> -> memref<1x4096xi32, #tpu.memory_space<hbm>>
        %dma_start3A_239 = tpu.memref_squeeze %dma_start3A_238 : memref<1x4096xi32, #tpu.memory_space<hbm>> -> memref<4096xi32, #tpu.memory_space<hbm>>
        %dma_start3A_240 = tpu.memref_slice %arg9[%dma_start3A_233] : memref<2x!tpu.dma_semaphore, #tpu.memory_space<semaphore_mem>> -> memref<1x!tpu.dma_semaphore, #tpu.memory_space<semaphore_mem>>
        %dma_start3A_241 = tpu.memref_squeeze %dma_start3A_240 : memref<1x!tpu.dma_semaphore, #tpu.memory_space<semaphore_mem>> -> memref<!tpu.dma_semaphore, #tpu.memory_space<semaphore_mem>>
        %dma_start3A_242 = arith.constant 0 : i32
        %dma_start3A_243 = tpu.memref_slice %arg6[%dma_start3A_232, %dma_start3A_242] : memref<2x4096xi32, #tpu.memory_space<vmem>> -> memref<1x4096xi32, #tpu.memory_space<vmem>>
        %dma_start3A_244 = tpu.memref_squeeze %dma_start3A_243 : memref<1x4096xi32, #tpu.memory_space<vmem>> -> memref<4096xi32, #tpu.memory_space<vmem>>
        %dma_start3A_245 = arith.constant 0 : i32
        %dma_start3A_246 = tpu.memref_slice %arg2[%add3A_231, %dma_start3A_245] : memref<200x4096xi32, #tpu.memory_space<hbm>> -> memref<1x4096xi32, #tpu.memory_space<hbm>>
        %dma_start3A_247 = tpu.memref_squeeze %dma_start3A_246 : memref<1x4096xi32, #tpu.memory_space<hbm>> -> memref<4096xi32, #tpu.memory_space<hbm>>
        tpu.enqueue_dma source(%dma_start3A_247 : memref<4096xi32, #tpu.memory_space<hbm>>) target(%dma_start3A_244 : memref<4096xi32, #tpu.memory_space<vmem>>) target_semaphore(%dma_start3A_241 : memref<!tpu.dma_semaphore, #tpu.memory_space<semaphore_mem>>)
      } else {
      }
      %add3A_202 = arith.constant 1 : i32
      %add3A_203 = arith.addi %add3A_121, %add3A_202 : i32
      %ge3A_204 = arith.constant 2 : i32
      %ge3A_205 = arith.cmpi sge, %add3A_203, %ge3A_204 : i32
      %convert_element_type3A_206 = arith.extui %ge3A_205 : i1 to i32
      %cond3A_207 = arith.constant 0 : i32
      %cond3A_208 = arith.cmpi ne, %convert_element_type3A_206, %cond3A_207 : i32
      scf.if %cond3A_208 {
        %sub3A_230 = arith.constant 2 : i32
        %sub3A_231 = arith.subi %add3A_176, %sub3A_230 : i32
        %dma_wait3A_232 = arith.constant 1 : i32
        %dma_wait3A_233 = arith.constant 1 : i32
        %dma_wait3A_234 = arith.constant 0 : i32
        %dma_wait3A_235 = arith.constant 0 : i32
        %dma_wait3A_236 = tpu.memref_slice %arg7[%dma_wait3A_232, %dma_wait3A_234, %dma_wait3A_235] : memref<2x8x4096xf32, #tpu.memory_space<vmem>> -> memref<1x8x4096xf32, #tpu.memory_space<vmem>>
        %dma_wait3A_237 = tpu.memref_squeeze %dma_wait3A_236 : memref<1x8x4096xf32, #tpu.memory_space<vmem>> -> memref<8x4096xf32, #tpu.memory_space<vmem>>
        %dma_wait3A_238 = arith.constant 0 : i32
        %dma_wait3A_239 = tpu.memref_slice %arg4[%sub3A_231, %mul3A_11, %dma_wait3A_238] : memref<200x64x4096xf32, #tpu.memory_space<hbm>> -> memref<1x8x4096xf32, #tpu.memory_space<hbm>>
        %dma_wait3A_240 = tpu.memref_squeeze %dma_wait3A_239 : memref<1x8x4096xf32, #tpu.memory_space<hbm>> -> memref<8x4096xf32, #tpu.memory_space<hbm>>
        %dma_wait3A_241 = tpu.memref_slice %arg8[%dma_wait3A_233] : memref<2x!tpu.dma_semaphore, #tpu.memory_space<semaphore_mem>> -> memref<1x!tpu.dma_semaphore, #tpu.memory_space<semaphore_mem>>
        %dma_wait3A_242 = tpu.memref_squeeze %dma_wait3A_241 : memref<1x!tpu.dma_semaphore, #tpu.memory_space<semaphore_mem>> -> memref<!tpu.dma_semaphore, #tpu.memory_space<semaphore_mem>>
        %dma_wait3A_243 = arith.constant 0 : i32
        %dma_wait3A_244 = tpu.memref_slice %arg4[%sub3A_231, %mul3A_11, %dma_wait3A_243] : memref<200x64x4096xf32, #tpu.memory_space<hbm>> -> memref<1x8x4096xf32, #tpu.memory_space<hbm>>
        %dma_wait3A_245 = tpu.memref_squeeze %dma_wait3A_244 : memref<1x8x4096xf32, #tpu.memory_space<hbm>> -> memref<8x4096xf32, #tpu.memory_space<hbm>>
        %dma_wait3A_246 = arith.constant 0 : i32
        %dma_wait3A_247 = arith.constant 0 : i32
        %dma_wait3A_248 = tpu.memref_slice %arg7[%dma_wait3A_232, %dma_wait3A_246, %dma_wait3A_247] : memref<2x8x4096xf32, #tpu.memory_space<vmem>> -> memref<1x8x4096xf32, #tpu.memory_space<vmem>>
        %dma_wait3A_249 = tpu.memref_squeeze %dma_wait3A_248 : memref<1x8x4096xf32, #tpu.memory_space<vmem>> -> memref<8x4096xf32, #tpu.memory_space<vmem>>
        tpu.wait_dma2 semaphore(%dma_wait3A_242 : memref<!tpu.dma_semaphore, #tpu.memory_space<semaphore_mem>>) src(%dma_wait3A_249 : memref<8x4096xf32, #tpu.memory_space<vmem>>) dst(%dma_wait3A_245 : memref<8x4096xf32, #tpu.memory_space<hbm>>)
      } else {
      }
      %parallel_loop3A_209 = arith.constant 0 : i32
      %parallel_loop3A_210 = arith.constant 4096 : i32
      %parallel_loop3A_211 = arith.constant 16 : i32
      scf.for %parallel_loop3A_230 = %parallel_loop3A_209 to %parallel_loop3A_210 step %parallel_loop3A_211  : i32 {
        %parallel_loop3A_231 = arith.constant 1 : i32
        %parallel_loop3A_232 = arith.index_cast %parallel_loop3A_231 : i32 to index
        %parallel_loop3A_233 = arith.index_cast %parallel_loop3A_230 : i32 to index
        %parallel_loop3A_234 = tpu.vector_load %arg6[%parallel_loop3A_232, %parallel_loop3A_233] {strides = array<i32>} : memref<2x4096xi32, #tpu.memory_space<vmem>>, vector<16xi32>,
        %parallel_loop3A_235 = arith.constant 0 : i32
        %parallel_loop3A_236 = vector.broadcast %parallel_loop3A_235 : i32 to vector<16xi32>
        %parallel_loop3A_237 = arith.addi %parallel_loop3A_234, %parallel_loop3A_236 : vector<16xi32>
        %parallel_loop3A_238 = tpu.vector_load_idx %arg5[%parallel_loop3A_237] : memref<16384xf32, #tpu.memory_space<vmem>>[vector<16xi32>], vector<16xf32>,
        %parallel_loop3A_239 = arith.constant 1 : i32
        %parallel_loop3A_240 = arith.constant 0 : i32
        %parallel_loop3A_241 = arith.index_cast %parallel_loop3A_239 : i32 to index
        %parallel_loop3A_242 = arith.index_cast %parallel_loop3A_240 : i32 to index
        %parallel_loop3A_243 = arith.index_cast %parallel_loop3A_230 : i32 to index
        %parallel_loop3A_244 = tpu.vector_load %arg7[%parallel_loop3A_241, %parallel_loop3A_242, %parallel_loop3A_243] {strides = array<i32>} : memref<2x8x4096xf32, #tpu.memory_space<vmem>>, vector<16xf32>,
        tpu.vector_store %arg7[%parallel_loop3A_241, %parallel_loop3A_242, %parallel_loop3A_243], %parallel_loop3A_238 {strides = array<i32>} : memref<2x8x4096xf32, #tpu.memory_space<vmem>>, vector<16xf32>,
        %parallel_loop3A_245 = arith.constant 2048 : i32
        %parallel_loop3A_246 = vector.broadcast %parallel_loop3A_245 : i32 to vector<16xi32>
        %parallel_loop3A_247 = arith.addi %parallel_loop3A_234, %parallel_loop3A_246 : vector<16xi32>
        %parallel_loop3A_248 = tpu.vector_load_idx %arg5[%parallel_loop3A_247] : memref<16384xf32, #tpu.memory_space<vmem>>[vector<16xi32>], vector<16xf32>,
        %parallel_loop3A_249 = arith.constant 1 : i32
        %parallel_loop3A_250 = arith.constant 1 : i32
        %parallel_loop3A_251 = arith.index_cast %parallel_loop3A_249 : i32 to index
        %parallel_loop3A_252 = arith.index_cast %parallel_loop3A_250 : i32 to index
        %parallel_loop3A_253 = arith.index_cast %parallel_loop3A_230 : i32 to index
        %parallel_loop3A_254 = tpu.vector_load %arg7[%parallel_loop3A_251, %parallel_loop3A_252, %parallel_loop3A_253] {strides = array<i32>} : memref<2x8x4096xf32, #tpu.memory_space<vmem>>, vector<16xf32>,
        tpu.vector_store %arg7[%parallel_loop3A_251, %parallel_loop3A_252, %parallel_loop3A_253], %parallel_loop3A_248 {strides = array<i32>} : memref<2x8x4096xf32, #tpu.memory_space<vmem>>, vector<16xf32>,
        %parallel_loop3A_255 = arith.constant 4096 : i32
        %parallel_loop3A_256 = vector.broadcast %parallel_loop3A_255 : i32 to vector<16xi32>
        %parallel_loop3A_257 = arith.addi %parallel_loop3A_234, %parallel_loop3A_256 : vector<16xi32>
        %parallel_loop3A_258 = tpu.vector_load_idx %arg5[%parallel_loop3A_257] : memref<16384xf32, #tpu.memory_space<vmem>>[vector<16xi32>], vector<16xf32>,
        %parallel_loop3A_259 = arith.constant 1 : i32
        %parallel_loop3A_260 = arith.constant 2 : i32
        %parallel_loop3A_261 = arith.index_cast %parallel_loop3A_259 : i32 to index
        %parallel_loop3A_262 = arith.index_cast %parallel_loop3A_260 : i32 to index
        %parallel_loop3A_263 = arith.index_cast %parallel_loop3A_230 : i32 to index
        %parallel_loop3A_264 = tpu.vector_load %arg7[%parallel_loop3A_261, %parallel_loop3A_262, %parallel_loop3A_263] {strides = array<i32>} : memref<2x8x4096xf32, #tpu.memory_space<vmem>>, vector<16xf32>,
        tpu.vector_store %arg7[%parallel_loop3A_261, %parallel_loop3A_262, %parallel_loop3A_263], %parallel_loop3A_258 {strides = array<i32>} : memref<2x8x4096xf32, #tpu.memory_space<vmem>>, vector<16xf32>,
        %parallel_loop3A_265 = arith.constant 6144 : i32
        %parallel_loop3A_266 = vector.broadcast %parallel_loop3A_265 : i32 to vector<16xi32>
        %parallel_loop3A_267 = arith.addi %parallel_loop3A_234, %parallel_loop3A_266 : vector<16xi32>
        %parallel_loop3A_268 = tpu.vector_load_idx %arg5[%parallel_loop3A_267] : memref<16384xf32, #tpu.memory_space<vmem>>[vector<16xi32>], vector<16xf32>,
        %parallel_loop3A_269 = arith.constant 1 : i32
        %parallel_loop3A_270 = arith.constant 3 : i32
        %parallel_loop3A_271 = arith.index_cast %parallel_loop3A_269 : i32 to index
        %parallel_loop3A_272 = arith.index_cast %parallel_loop3A_270 : i32 to index
        %parallel_loop3A_273 = arith.index_cast %parallel_loop3A_230 : i32 to index
        %parallel_loop3A_274 = tpu.vector_load %arg7[%parallel_loop3A_271, %parallel_loop3A_272, %parallel_loop3A_273] {strides = array<i32>} : memref<2x8x4096xf32, #tpu.memory_space<vmem>>, vector<16xf32>,
        tpu.vector_store %arg7[%parallel_loop3A_271, %parallel_loop3A_272, %parallel_loop3A_273], %parallel_loop3A_268 {strides = array<i32>} : memref<2x8x4096xf32, #tpu.memory_space<vmem>>, vector<16xf32>,
        %parallel_loop3A_275 = arith.constant 8192 : i32
        %parallel_loop3A_276 = vector.broadcast %parallel_loop3A_275 : i32 to vector<16xi32>
        %parallel_loop3A_277 = arith.addi %parallel_loop3A_234, %parallel_loop3A_276 : vector<16xi32>
        %parallel_loop3A_278 = tpu.vector_load_idx %arg5[%parallel_loop3A_277] : memref<16384xf32, #tpu.memory_space<vmem>>[vector<16xi32>], vector<16xf32>,
        %parallel_loop3A_279 = arith.constant 1 : i32
        %parallel_loop3A_280 = arith.constant 4 : i32
        %parallel_loop3A_281 = arith.index_cast %parallel_loop3A_279 : i32 to index
        %parallel_loop3A_282 = arith.index_cast %parallel_loop3A_280 : i32 to index
        %parallel_loop3A_283 = arith.index_cast %parallel_loop3A_230 : i32 to index
        %parallel_loop3A_284 = tpu.vector_load %arg7[%parallel_loop3A_281, %parallel_loop3A_282, %parallel_loop3A_283] {strides = array<i32>} : memref<2x8x4096xf32, #tpu.memory_space<vmem>>, vector<16xf32>,
        tpu.vector_store %arg7[%parallel_loop3A_281, %parallel_loop3A_282, %parallel_loop3A_283], %parallel_loop3A_278 {strides = array<i32>} : memref<2x8x4096xf32, #tpu.memory_space<vmem>>, vector<16xf32>,
        %parallel_loop3A_285 = arith.constant 10240 : i32
        %parallel_loop3A_286 = vector.broadcast %parallel_loop3A_285 : i32 to vector<16xi32>
        %parallel_loop3A_287 = arith.addi %parallel_loop3A_234, %parallel_loop3A_286 : vector<16xi32>
        %parallel_loop3A_288 = tpu.vector_load_idx %arg5[%parallel_loop3A_287] : memref<16384xf32, #tpu.memory_space<vmem>>[vector<16xi32>], vector<16xf32>,
        %parallel_loop3A_289 = arith.constant 1 : i32
        %parallel_loop3A_290 = arith.constant 5 : i32
        %parallel_loop3A_291 = arith.index_cast %parallel_loop3A_289 : i32 to index
        %parallel_loop3A_292 = arith.index_cast %parallel_loop3A_290 : i32 to index
        %parallel_loop3A_293 = arith.index_cast %parallel_loop3A_230 : i32 to index
        %parallel_loop3A_294 = tpu.vector_load %arg7[%parallel_loop3A_291, %parallel_loop3A_292, %parallel_loop3A_293] {strides = array<i32>} : memref<2x8x4096xf32, #tpu.memory_space<vmem>>, vector<16xf32>,
        tpu.vector_store %arg7[%parallel_loop3A_291, %parallel_loop3A_292, %parallel_loop3A_293], %parallel_loop3A_288 {strides = array<i32>} : memref<2x8x4096xf32, #tpu.memory_space<vmem>>, vector<16xf32>,
        %parallel_loop3A_295 = arith.constant 12288 : i32
        %parallel_loop3A_296 = vector.broadcast %parallel_loop3A_295 : i32 to vector<16xi32>
        %parallel_loop3A_297 = arith.addi %parallel_loop3A_234, %parallel_loop3A_296 : vector<16xi32>
        %parallel_loop3A_298 = tpu.vector_load_idx %arg5[%parallel_loop3A_297] : memref<16384xf32, #tpu.memory_space<vmem>>[vector<16xi32>], vector<16xf32>,
        %parallel_loop3A_299 = arith.constant 1 : i32
        %parallel_loop3A_300 = arith.constant 6 : i32
        %parallel_loop3A_301 = arith.index_cast %parallel_loop3A_299 : i32 to index
        %parallel_loop3A_302 = arith.index_cast %parallel_loop3A_300 : i32 to index
        %parallel_loop3A_303 = arith.index_cast %parallel_loop3A_230 : i32 to index
        %parallel_loop3A_304 = tpu.vector_load %arg7[%parallel_loop3A_301, %parallel_loop3A_302, %parallel_loop3A_303] {strides = array<i32>} : memref<2x8x4096xf32, #tpu.memory_space<vmem>>, vector<16xf32>,
        tpu.vector_store %arg7[%parallel_loop3A_301, %parallel_loop3A_302, %parallel_loop3A_303], %parallel_loop3A_298 {strides = array<i32>} : memref<2x8x4096xf32, #tpu.memory_space<vmem>>, vector<16xf32>,
        %parallel_loop3A_305 = arith.constant 14336 : i32
        %parallel_loop3A_306 = vector.broadcast %parallel_loop3A_305 : i32 to vector<16xi32>
        %parallel_loop3A_307 = arith.addi %parallel_loop3A_234, %parallel_loop3A_306 : vector<16xi32>
        %parallel_loop3A_308 = tpu.vector_load_idx %arg5[%parallel_loop3A_307] : memref<16384xf32, #tpu.memory_space<vmem>>[vector<16xi32>], vector<16xf32>,
        %parallel_loop3A_309 = arith.constant 1 : i32
        %parallel_loop3A_310 = arith.constant 7 : i32
        %parallel_loop3A_311 = arith.index_cast %parallel_loop3A_309 : i32 to index
        %parallel_loop3A_312 = arith.index_cast %parallel_loop3A_310 : i32 to index
        %parallel_loop3A_313 = arith.index_cast %parallel_loop3A_230 : i32 to index
        %parallel_loop3A_314 = tpu.vector_load %arg7[%parallel_loop3A_311, %parallel_loop3A_312, %parallel_loop3A_313] {strides = array<i32>} : memref<2x8x4096xf32, #tpu.memory_space<vmem>>, vector<16xf32>,
        tpu.vector_store %arg7[%parallel_loop3A_311, %parallel_loop3A_312, %parallel_loop3A_313], %parallel_loop3A_308 {strides = array<i32>} : memref<2x8x4096xf32, #tpu.memory_space<vmem>>, vector<16xf32>,
      } {sc.loop_unroll_factor = 8 : i64, sc.parallel_access}
      %dma_start3A_212 = arith.constant 1 : i32
      %dma_start3A_213 = arith.constant 1 : i32
      %dma_start3A_214 = arith.constant 0 : i32
      %dma_start3A_215 = arith.constant 0 : i32
      %dma_start3A_216 = tpu.memref_slice %arg7[%dma_start3A_212, %dma_start3A_214, %dma_start3A_215] : memref<2x8x4096xf32, #tpu.memory_space<vmem>> -> memref<1x8x4096xf32, #tpu.memory_space<vmem>>
      %dma_start3A_217 = tpu.memref_squeeze %dma_start3A_216 : memref<1x8x4096xf32, #tpu.memory_space<vmem>> -> memref<8x4096xf32, #tpu.memory_space<vmem>>
      %dma_start3A_218 = arith.constant 0 : i32
      %dma_start3A_219 = tpu.memref_slice %arg4[%add3A_176, %mul3A_11, %dma_start3A_218] : memref<200x64x4096xf32, #tpu.memory_space<hbm>> -> memref<1x8x4096xf32, #tpu.memory_space<hbm>>
      %dma_start3A_220 = tpu.memref_squeeze %dma_start3A_219 : memref<1x8x4096xf32, #tpu.memory_space<hbm>> -> memref<8x4096xf32, #tpu.memory_space<hbm>>
      %dma_start3A_221 = tpu.memref_slice %arg8[%dma_start3A_213] : memref<2x!tpu.dma_semaphore, #tpu.memory_space<semaphore_mem>> -> memref<1x!tpu.dma_semaphore, #tpu.memory_space<semaphore_mem>>
      %dma_start3A_222 = tpu.memref_squeeze %dma_start3A_221 : memref<1x!tpu.dma_semaphore, #tpu.memory_space<semaphore_mem>> -> memref<!tpu.dma_semaphore, #tpu.memory_space<semaphore_mem>>
      %dma_start3A_223 = arith.constant 0 : i32
      %dma_start3A_224 = tpu.memref_slice %arg4[%add3A_176, %mul3A_11, %dma_start3A_223] : memref<200x64x4096xf32, #tpu.memory_space<hbm>> -> memref<1x8x4096xf32, #tpu.memory_space<hbm>>
      %dma_start3A_225 = tpu.memref_squeeze %dma_start3A_224 : memref<1x8x4096xf32, #tpu.memory_space<hbm>> -> memref<8x4096xf32, #tpu.memory_space<hbm>>
      %dma_start3A_226 = arith.constant 0 : i32
      %dma_start3A_227 = arith.constant 0 : i32
      %dma_start3A_228 = tpu.memref_slice %arg7[%dma_start3A_212, %dma_start3A_226, %dma_start3A_227] : memref<2x8x4096xf32, #tpu.memory_space<vmem>> -> memref<1x8x4096xf32, #tpu.memory_space<vmem>>
      %dma_start3A_229 = tpu.memref_squeeze %dma_start3A_228 : memref<1x8x4096xf32, #tpu.memory_space<vmem>> -> memref<8x4096xf32, #tpu.memory_space<vmem>>
      tpu.enqueue_dma source(%dma_start3A_229 : memref<8x4096xf32, #tpu.memory_space<vmem>>) target(%dma_start3A_225 : memref<8x4096xf32, #tpu.memory_space<hbm>>) target_semaphore(%dma_start3A_222 : memref<!tpu.dma_semaphore, #tpu.memory_space<semaphore_mem>>)
    }
    %scan3A_69 = arith.constant 25 : i32
    %add3A_70 = arith.constant 50 : i32
    %add3A_71 = arith.addi %mul3A_34, %add3A_70 : i32
    %sub3A_72 = arith.constant 2 : i32
    %sub3A_73 = arith.subi %add3A_71, %sub3A_72 : i32
    %add3A_74 = arith.constant 0 : i32
    %add3A_75 = arith.addi %sub3A_73, %add3A_74 : i32
    %dma_wait3A = arith.constant 0 : i32
    %dma_wait3A_76 = arith.constant 0 : i32
    %dma_wait3A_77 = arith.constant 0 : i32
    %dma_wait3A_78 = arith.constant 0 : i32
    %dma_wait3A_79 = tpu.memref_slice %arg7[%dma_wait3A, %dma_wait3A_77, %dma_wait3A_78] : memref<2x8x4096xf32, #tpu.memory_space<vmem>> -> memref<1x8x4096xf32, #tpu.memory_space<vmem>>
    %dma_wait3A_80 = tpu.memref_squeeze %dma_wait3A_79 : memref<1x8x4096xf32, #tpu.memory_space<vmem>> -> memref<8x4096xf32, #tpu.memory_space<vmem>>
    %dma_wait3A_81 = arith.constant 0 : i32
    %dma_wait3A_82 = tpu.memref_slice %arg4[%add3A_75, %mul3A_11, %dma_wait3A_81] : memref<200x64x4096xf32, #tpu.memory_space<hbm>> -> memref<1x8x4096xf32, #tpu.memory_space<hbm>>
    %dma_wait3A_83 = tpu.memref_squeeze %dma_wait3A_82 : memref<1x8x4096xf32, #tpu.memory_space<hbm>> -> memref<8x4096xf32, #tpu.memory_space<hbm>>
    %dma_wait3A_84 = tpu.memref_slice %arg8[%dma_wait3A_76] : memref<2x!tpu.dma_semaphore, #tpu.memory_space<semaphore_mem>> -> memref<1x!tpu.dma_semaphore, #tpu.memory_space<semaphore_mem>>
    %dma_wait3A_85 = tpu.memref_squeeze %dma_wait3A_84 : memref<1x!tpu.dma_semaphore, #tpu.memory_space<semaphore_mem>> -> memref<!tpu.dma_semaphore, #tpu.memory_space<semaphore_mem>>
    %dma_wait3A_86 = arith.constant 0 : i32
    %dma_wait3A_87 = tpu.memref_slice %arg4[%add3A_75, %mul3A_11, %dma_wait3A_86] : memref<200x64x4096xf32, #tpu.memory_space<hbm>> -> memref<1x8x4096xf32, #tpu.memory_space<hbm>>
    %dma_wait3A_88 = tpu.memref_squeeze %dma_wait3A_87 : memref<1x8x4096xf32, #tpu.memory_space<hbm>> -> memref<8x4096xf32, #tpu.memory_space<hbm>>
    %dma_wait3A_89 = arith.constant 0 : i32
    %dma_wait3A_90 = arith.constant 0 : i32
    %dma_wait3A_91 = tpu.memref_slice %arg7[%dma_wait3A, %dma_wait3A_89, %dma_wait3A_90] : memref<2x8x4096xf32, #tpu.memory_space<vmem>> -> memref<1x8x4096xf32, #tpu.memory_space<vmem>>
    %dma_wait3A_92 = tpu.memref_squeeze %dma_wait3A_91 : memref<1x8x4096xf32, #tpu.memory_space<vmem>> -> memref<8x4096xf32, #tpu.memory_space<vmem>>
    tpu.wait_dma2 semaphore(%dma_wait3A_85 : memref<!tpu.dma_semaphore, #tpu.memory_space<semaphore_mem>>) src(%dma_wait3A_92 : memref<8x4096xf32, #tpu.memory_space<vmem>>) dst(%dma_wait3A_88 : memref<8x4096xf32, #tpu.memory_space<hbm>>)
    %add3A_93 = arith.constant 50 : i32
    %add3A_94 = arith.addi %mul3A_34, %add3A_93 : i32
    %sub3A_95 = arith.constant 2 : i32
    %sub3A_96 = arith.subi %add3A_94, %sub3A_95 : i32
    %add3A_97 = arith.constant 1 : i32
    %add3A_98 = arith.addi %sub3A_96, %add3A_97 : i32
    %dma_wait3A_99 = arith.constant 1 : i32
    %dma_wait3A_100 = arith.constant 1 : i32
    %dma_wait3A_101 = arith.constant 0 : i32
    %dma_wait3A_102 = arith.constant 0 : i32
    %dma_wait3A_103 = tpu.memref_slice %arg7[%dma_wait3A_99, %dma_wait3A_101, %dma_wait3A_102] : memref<2x8x4096xf32, #tpu.memory_space<vmem>> -> memref<1x8x4096xf32, #tpu.memory_space<vmem>>
    %dma_wait3A_104 = tpu.memref_squeeze %dma_wait3A_103 : memref<1x8x4096xf32, #tpu.memory_space<vmem>> -> memref<8x4096xf32, #tpu.memory_space<vmem>>
    %dma_wait3A_105 = arith.constant 0 : i32
    %dma_wait3A_106 = tpu.memref_slice %arg4[%add3A_98, %mul3A_11, %dma_wait3A_105] : memref<200x64x4096xf32, #tpu.memory_space<hbm>> -> memref<1x8x4096xf32, #tpu.memory_space<hbm>>
    %dma_wait3A_107 = tpu.memref_squeeze %dma_wait3A_106 : memref<1x8x4096xf32, #tpu.memory_space<hbm>> -> memref<8x4096xf32, #tpu.memory_space<hbm>>
    %dma_wait3A_108 = tpu.memref_slice %arg8[%dma_wait3A_100] : memref<2x!tpu.dma_semaphore, #tpu.memory_space<semaphore_mem>> -> memref<1x!tpu.dma_semaphore, #tpu.memory_space<semaphore_mem>>
    %dma_wait3A_109 = tpu.memref_squeeze %dma_wait3A_108 : memref<1x!tpu.dma_semaphore, #tpu.memory_space<semaphore_mem>> -> memref<!tpu.dma_semaphore, #tpu.memory_space<semaphore_mem>>
    %dma_wait3A_110 = arith.constant 0 : i32
    %dma_wait3A_111 = tpu.memref_slice %arg4[%add3A_98, %mul3A_11, %dma_wait3A_110] : memref<200x64x4096xf32, #tpu.memory_space<hbm>> -> memref<1x8x4096xf32, #tpu.memory_space<hbm>>
    %dma_wait3A_112 = tpu.memref_squeeze %dma_wait3A_111 : memref<1x8x4096xf32, #tpu.memory_space<hbm>> -> memref<8x4096xf32, #tpu.memory_space<hbm>>
    %dma_wait3A_113 = arith.constant 0 : i32
    %dma_wait3A_114 = arith.constant 0 : i32
    %dma_wait3A_115 = tpu.memref_slice %arg7[%dma_wait3A_99, %dma_wait3A_113, %dma_wait3A_114] : memref<2x8x4096xf32, #tpu.memory_space<vmem>> -> memref<1x8x4096xf32, #tpu.memory_space<vmem>>
    %dma_wait3A_116 = tpu.memref_squeeze %dma_wait3A_115 : memref<1x8x4096xf32, #tpu.memory_space<vmem>> -> memref<8x4096xf32, #tpu.memory_space<vmem>>
    tpu.wait_dma2 semaphore(%dma_wait3A_109 : memref<!tpu.dma_semaphore, #tpu.memory_space<semaphore_mem>>) src(%dma_wait3A_116 : memref<8x4096xf32, #tpu.memory_space<vmem>>) dst(%dma_wait3A_112 : memref<8x4096xf32, #tpu.memory_space<hbm>>)
    return
  }
}

</mosaic_0001>

<sc_bundles>
// kernel: _pe_gather.3.cloned.1.call-start
scs
__scs_entry_jumppad:
0x0: {  	(pc) =	sbr.rel $0x88, $3  }
0x1: {  	(tag) =	ssettag $0x0;
	lr =	simm.s32 $0x1  }
0x2: {  	[smem:$0x3F9F] =	sst lr;
	_ =	strace $0xD0000000  }
0x3: {  	_ = 	snop  }
0x4: {  	_ = 	snop  }
0x5: {  	_ = 	snop  }
0x6: {  	_ = 	snop  }
0x7: {  	_ = 	snop  }
__scs_overlays_trampoline_lowered:
0x8: {  	[smem:$0x3FAE] =	sst s0  }
0x9: {  	[smem:$0x3FAF] =	sst s1  }
0xa: {  	[smem:$0x3FB0] =	sst s2  }
0xb: {  	[smem:$0x3FB1] =	sst s3  }
0xc: {  	[smem:$0x3FB2] =	sst s4  }
0xd: {  	[smem:$0x3FB3] =	sst s5  }
0xe: {  	[smem:$0x3FB4] =	sst s6  }
0xf: {  	[smem:$0x3FB5] =	sst s7  }
0x10: {  	[smem:$0x3FB6] =	sst s8  }
0x11: {  	[smem:$0x3FB7] =	sst s9;
	s0 =	simm.s32 @!p0 $0x0  }
0x12: {  	s1 =	sld [smem:$0x3F9D];
	s0 =	simm.s32 @p0 $0x1  }
0x13: {  	[smem:$0x3FB8] =	sst s0;
	s0 =	simm.s32 @!p1 $0x0  }
0x14: {  	s2 =	sld [smem:$0x3F9C];
	s0 =	simm.s32 @p1 $0x1  }
0x15: {  	[smem:$0x3FB9] =	sst s0;
	s0 =	simm.s32 @!p2 $0x0  }
0x16: {  	s3 =	sld [smem:$0x3FDB];
	s0 =	simm.s32 @p2 $0x1  }
0x17: {  	s4 =	simm.s32 $0x1BF5;
	[smem:$0x3FBB] =	sst s0  }
0x18: {  	s0 =	sld [smem:$0x3F9E];
	_ =	swait.ge [sflag:s4], $0x0  }
0x19: {  	s7 =	sld [smem:$0x3F9F]  }
0x1a: {  	s8 =	sadd.s32 $0xFFFFE003, lr  }
0x1b: {  	s9 =	sadd.s32 $0xFFFFFEF7, lr;
	s5 =	simm.s32 $0xFFFFFFFF;
	p2 =	slt.u32 s8, $0xFFFFF086  }
0x1c: {  	p1 =	slt.u32 s9, $0xF7A;
	s5 =	simm.s32 @!p2 $0x0  }
0x1d: {  	s5 =	simm.s32 @p1 $0x1;
	p0 =	seq.s32 s7, s2  }
0x1e: {  	s7 =	smul.u32 @!p0 $0xF7A, s2;
	p2 =	seq.s32 @!p0 s5, $0x0  }
0x1f: {  	s9 =	smul.u32 $0xF7A, s1;
	s8 =	simm.s32 @!p0 $0x1BF5;
	p2 =	por !p2, p0  }
0x20: {  	[sflag:s8] =	ssyncset.s32 @!p0 $0xFFFFF086;
	s6 =	sadd.s32 @!p0 s3, s7;
	s7 =	simm.s32 @!p0 $0x108  }
0x21: {  	s3 =	sadd.s32 s3, s9;
	s6 =	sadd.s32 @!p0 $0x88, s6;
	s7 =	simm.s32 @p2 $0x1082  }
0x22: {  	[simem:s7], [sflag:s8] =	dma.local @!p0 [hbm:s6], $0xF7A  }
0x23: {  	s9 =	sor.u32 $0xD0000000, s2;
	s6 =	simm.s32 $0x108;
	_ =	swait.ge @!p0 [sflag:s8], $0x0  }
0x24: {  	s3 =	sadd.s32 $0x88, s3;
	s6 =	simm.s32 @!p1 $0x1082;
	[sflag:s4] =	ssyncset.s32 $0xFFFFF086  }
0x25: {  	[simem:s6], [sflag:s4] =	dma.local [hbm:s3], $0xF7A  }
0x26: {  	[smem:$0x3F9F] =	sst s1;
	(tag) =	ssettag s2;
	_ =	strace s9  }
0x27: {  	s1 =	sld [smem:$0x3FAF]  }
0x28: {  	s2 =	sld [smem:$0x3FB0]  }
0x29: {  	s4 =	sld [smem:$0x3FB2]  }
0x2a: {  	p0 =	seq.s32 s5, $0x0;
	s5 =	sld [smem:$0x3FB3]  }
0x2b: {  	s6 =	sld [smem:$0x3FB4]  }
0x2c: {  	s7 =	sld [smem:$0x3FB5]  }
0x2d: {  	s3 =	simm.s32 $0x108;
	s8 =	sld [smem:$0x3FB6]  }
0x2e: {  	s3 =	simm.s32 @!p0 $0x1082;
	s9 =	sld [smem:$0x3FB7]  }
0x2f: {  	lr =	sadd.s32 s0, s3;
	s0 =	sld [smem:$0x3FAE]  }
0x30: {  	s3 =	sld [smem:$0x3FB1]  }
0x31: {  	[smem:$0x3FBA] =	sst s10  }
0x32: {  	s10 =	sld [smem:$0x3FB8];
	_ =	sdelay $0x3  }
0x33: {  	p0 =	seq.s32 s10, $0x1;
	s10 =	sld [smem:$0x3FBA];
	_ =	sdelay $0x3  }
0x34: {  	[smem:$0x3FBA] =	sst s10  }
0x35: {  	s10 =	sld [smem:$0x3FB9];
	_ =	sdelay $0x3  }
0x36: {  	p1 =	seq.s32 s10, $0x1;
	s10 =	sld [smem:$0x3FBA];
	_ =	sdelay $0x3  }
0x37: {  	[smem:$0x3FBA] =	sst s10  }
0x38: {  	s10 =	sld [smem:$0x3FBB]  }
0x39: {  	_ = 	snop;
	(pc) =	sbr.ind lr, $3  }
0x3a: {  	_ = 	snop  }
0x3b: {  	_ = 	snop  }
0x3c: {  	p2 =	seq.s32 s10, $0x1;
	s10 =	sld [smem:$0x3FBA]  }
0x3d: {  	_ =	shalt  }
0x3e: {  	_ =	shalt  }
0x3f: {  	_ =	shalt  }
0x40: {  	_ =	shalt  }
0x41: {  	_ =	shalt  }
0x42: {  	_ =	shalt  }
0x43: {  	_ =	shalt  }
0x44: {  	_ =	shalt  }
0x45: {  	_ =	shalt  }
0x46: {  	_ =	shalt  }
0x47: {  	_ =	shalt  }
0x48: {  	_ =	shalt  }
0x49: {  	_ =	shalt  }
0x4a: {  	_ =	shalt  }
0x4b: {  	_ =	shalt  }
0x4c: {  	_ =	shalt  }
0x4d: {  	_ =	shalt  }
0x4e: {  	_ =	shalt  }
0x4f: {  	_ =	shalt  }
0x50: {  	_ =	shalt  }
0x51: {  	_ =	shalt  }
0x52: {  	_ =	shalt  }
0x53: {  	_ =	shalt  }
0x54: {  	_ =	shalt  }
0x55: {  	_ =	shalt  }
0x56: {  	_ =	shalt  }
0x57: {  	_ =	shalt  }
0x58: {  	_ =	shalt  }
0x59: {  	_ =	shalt  }
0x5a: {  	_ =	shalt  }
0x5b: {  	_ =	shalt  }
0x5c: {  	_ =	shalt  }
0x5d: {  	_ =	shalt  }
0x5e: {  	_ =	shalt  }
0x5f: {  	_ =	shalt  }
0x60: {  	_ =	shalt  }
0x61: {  	_ =	shalt  }
0x62: {  	_ =	shalt  }
0x63: {  	_ =	shalt  }
0x64: {  	_ =	shalt  }
0x65: {  	_ =	shalt  }
0x66: {  	_ =	shalt  }
0x67: {  	_ =	shalt  }
0x68: {  	_ =	shalt  }
0x69: {  	_ =	shalt  }
0x6a: {  	_ =	shalt  }
0x6b: {  	_ =	shalt  }
0x6c: {  	_ =	shalt  }
0x6d: {  	_ =	shalt  }
0x6e: {  	_ =	shalt  }
0x6f: {  	_ =	shalt  }
0x70: {  	_ =	shalt  }
0x71: {  	_ =	shalt  }
0x72: {  	_ =	shalt  }
0x73: {  	_ =	shalt  }
0x74: {  	_ =	shalt  }
0x75: {  	_ =	shalt  }
0x76: {  	_ =	shalt  }
0x77: {  	_ =	shalt  }
0x78: {  	_ =	shalt  }
0x79: {  	_ =	shalt  }
0x7a: {  	_ =	shalt  }
0x7b: {  	_ =	shalt  }
0x7c: {  	_ =	shalt  }
0x7d: {  	_ =	shalt  }
0x7e: {  	_ =	shalt  }
0x7f: {  	_ =	shalt  }
0x80: {  	_ =	shalt  }
0x81: {  	_ =	shalt  }
0x82: {  	_ =	shalt  }
0x83: {  	_ =	shalt  }
0x84: {  	_ =	shalt  }
0x85: {  	_ =	shalt  }
0x86: {  	_ =	shalt  }
0x87: {  	_ =	shalt  }
.Lfunc_end0:
.L_simem_size_0:
called_computation_lowered:
.L_overlay_start_0:
0x88: {  	s2 =	sld [smem:$0x3FD9]  }
0x89: {  	s3 =	sld [smem:$0x3FFE];
	_ =	sdelay $0x1  }
0x8a: {  	s1 =	srdreg.scid  }
0x8b: {  	s0 =	sand.u32 $0x1, s1  }
0x8c: {  	s18 =	sshll.u32 s0, $0xA;
	s2 =	sadd.s32 s3, s2  }
0x8d: {  	s2 =	sadd.s32 s2, s18  }
0x8e: {  	[smem:$0x3FC6] =	sst s2  }
0x8f: {  	_ = 	snop  }
0x90: {  	s2 =	sld [smem:$0x3FC9]  }
0x91: {  	s19 =	sld [smem:$0x3FC8]  }
0x92: {  	s4 =	sld [smem:$0x3FD0];
	(tm) =	ssettm $0x1  }
0x93: {  	s5 =	sld [smem:$0x3FFB];
	_ =	sdelay $0x3  }
0x94: {  	_ =	strace s5  }
0x95: {  	s5 =	sld [smem:$0x3FFC];
	_ =	sdelay $0x3  }
0x96: {  	_ =	strace s5  }
0x97: {  	s5 =	sld [smem:$0x3FFD];
	_ =	sdelay $0x3  }
0x98: {  	_ =	strace s5  }
0x99: {  	_ =	strace $0x8FFFFFFF  }
0x9a: {  	s20 =	sld [smem:$0x3FDB];
	_ =	sdelay $0x1  }
0x9b: {  	s6 =	simm.s32 $_scs_section_size  }
0x9c: {  	s7 =	simm.s32 $_size__tile_overlayer_lowered;
	s8 =	simm.s32 $_tile_overlayer_lowered  }
0x9d: {  	s23 =	simm.s32 $0x1BFF;
	s22 =	sshll.u32 s8, $0x1;
	s5 =	sadd.s32 s6, s20  }
0x9e: {  	s9 =	simm.s32 $0x0;
	s21 =	sshll.u32 s7, $0x1;
	s7 =	sadd.s32 s22, s5  }
0x9f: {  	[timem:s9], [sflag:s23] =	dma.local [hbm:s7], s21  }
0xa0: {  	_ =	swait.ge [sflag:s23], s21  }
0xa1: {  	s6 =	ssub.s32 $0x0, s21;
	[sflag:s23] =	ssyncset.done $0x0  }
0xa2: {  	[sflag:s23] =	ssyncadd.s32 s6;
	_ =	sdelay $0x1  }
0xa3: {  	s24 =	simm.s32 $0x1B8B  }
0xa4: {  	_ =	swait.ge [sflag:s24], $0x1  }
0xa5: {  	[sflag:s24] =	ssyncset.done $0x0  }
0xa6: {  	s25 =	simm.s32 $0x1B8E;
	[sflag:s24] =	ssyncadd.s32 $0xFFFFFFFF  }
0xa7: {  	s26 =	simm.s32 $execute0_lowered;
	[smem:$0x3FD2] =	sst s25  }
0xa8: {  	s6 =	sshll.u32 s26, $0x1;
	_ =	strace $0x80000046;
	[dreg:$0x1] =	wrdreg $0xFFFFFFFF  }
0xa9: {  	s28 =	simm.s32 $_size_execute0_lowered;
	s5 =	sadd.s32 s5, s6;
	[dreg:$0x0] =	wrdreg $0x0  }
0xaa: {  	s6 =	sshll.u32 s28, $0x1;
	[dreg:$0x2] =	wrdreg s5  }
0xab: {  	[dreg:$0x3] =	wrdreg s6  }
0xac: {  	[dreg:$0x4] =	wrdreg $0xC0  }
0xad: {  	_ =	task [dreg:s9], $0x5FFFF  }
0xae: {  	[dreg:$0x1] =	wrdreg $0xFFFFFFFF  }
0xaf: {  	[dreg:$0x0] =	wrdreg $0x60  }
0xb0: {  	[dreg:$0x2] =	wrdreg s2  }
0xb1: {  	[dreg:$0x3] =	wrdreg s19  }
0xb2: {  	[dreg:$0x4] =	wrdreg s4  }
0xb3: {  	[dreg:$0x5] =	wrdreg $0x9  }
0xb4: {  	_ =	task.clear_ibuf [dreg:s9], $0x6FFFF;
	_ =	strace $0x90000046  }
0xb5: {  	s29 =	simm.s32 $0x9;
	_ =	strace $0x80000048  }
0xb6: {  	_ =	swait.ge [sflag:s29], $0x1  }
0xb7: {  	[sflag:s29] =	ssyncadd.s32 $0xFFFFFFFF  }
0xb8: {  	_ =	strace $0x90000048  }
0xb9: {  	_ =	sfence  }
0xba: {  	s30 =	sld [smem:$0x0];
	_ =	sdelay $0x2  }
0xbb: {  	s31 =	sshll.u32 s1, $0xD;
	s1 =	sshrl.u32 s1, $0x2  }
0xbc: {  	s3 =	sand.u32 $0x4000, s31;
	s1 =	sadd.s32 s1, s30  }
0xbd: {  	s0 =	sor.u32 s3, s0;
	s1 =	sshll.u32 s1, $0x11  }
0xbe: {  	s0 =	sor.u32 s1, s0  }
0xbf: {  	s0 =	sadd.s32 $0x8F2B, s0  }
0xc0: {  	[sflag:s0] =	ssyncadd.remote.s32 $0x1  }
0xc1: {  	_ =	sfence.sel $0xFFFF  }
0xc2: {  	[dreg:$0x0] =	wrdreg $0xFFFFFFFF;
	(pc) =	sbr.abs _section_cstart, $3  }
0xc3: {  	[dreg:$0x1] =	wrdreg $0xFFFFFFFF  }
0xc4: {  	_ =	task.clear_ibuf [dreg:s9], $0x2FFFF;
	_ =	strace $0x9FFFFFFF  }
0xc5: {  	(tm) =	ssettm $0x7FFFFFFF  }
tec
execute0_lowered:
.L_overlay_start_1:
0x0: {  	(tag) =	ssettag $0x1  }
0x1: {  	s2 =	rddreg [dreg:$0x0]  }
0x2: {  	s0 =	rddreg [dreg:$0x1]  }
0x3: {  	s3 =	rddreg [dreg:$0x2];
	s7 =	stileid.u32;
	s4 =	simm.s32 $0x0  }
0x4: {  	s1 =	srdreg.scid;
	s18 =	simm.s32 $0x80;
	s19 =	simm.s32 $0x400  }
0x5: {  	s20 =	simm.s32 $0x5;
	s29 =	simm.s32 $0x3;
	s30 =	simm.s32 $0x6000  }
0x6: {  	s31 =	simm.s32 $0x4;
	s21 =	simm.s32 $0x1;
	s5 =	sshll.u32 s7, $0x1  }
0x7: {  	[smem:$0x7FF] =	sst s4;
	s1 =	sand.u32 $0x1, s1;
	s8 =	sshrl.u32 s7, $0x2  }
0x8: {  	s16 =	sadd.s32 $0x8000, s3;
	s5 =	sand.u32 $0x6, s5;
	s24 =	smul.u32 $0x32000, s8  }
0x9: {  	_ =	strace $0x80000047;
	s6 =	ssub.s32 $0x2, s1;
	s7 =	smul.u32 $0x32, s8  }
0xa: {  	s28 =	sshll.u32 s8, $0x8;
	s1 =	sor.u32 s1, s5;
	s22 =	sshrl.u32 s6, $0x1  }
0xb: {  	s23 =	sshll.u32 s1, $0xB;
	s9 =	ssub.s32 s6, s22;
	s6 =	sshll.u32 s1, $0xC  }
0xc: {  	s1 =	simm.s32 $0xE000;
	s22 =	simm.s32 $0x0;
	s5 =	sadd.s32 s0, s23  }
0xd: {  	s0 =	sand.u32 $0xF8000, s24;
	s17 =	smax.u32 s9, $0x1;
	s25 =	sadd.s32 $0x10, s5  }
0xe: {  	s26 =	sadd.s32 $0x20, s5;
	s10 =	sadd.s32 $0x30, s5;
	s11 =	sadd.s32 $0x40, s5  }
0xf: {  	s0 =	sor.u32 s28, s0;
	s12 =	sadd.s32 $0x50, s5;
	s13 =	sadd.s32 $0x60, s5  }
0x10: {  	s14 =	sadd.s32 $0x70, s5;
	[dreg:$0x4] =	wrdreg s25;
	s0 =	sshrl.u32 s0, $0x3  }
0x11: {  	[dreg:$0x5] =	wrdreg s26;
	s15 =	sadd.s32 s2, s0;
	s0 =	simm.s32 $0x2  }
.LBB2_1:
0x12: {  	[tilespmem:s4], [sflag:$0x5] =	stream.strided.gather [hbm4b:s5+s18], $0x800, s19, s18, $0x38;
	[tilespmem:$0x16000] =	vst v63  }
0x13: {  	_ =	swait.ge [sflag:s20], $0x800  }
0x14: {  	[sflag:s20] =	ssyncset.done $0x0  }
0x15: {  	s9 =	simm.s32 $0x800;
	s8 =	rddreg [dreg:$0x4];
	[sflag:s20] =	ssyncadd.s32 $0xFFFFF800  }
0x16: {  	[tilespmem:s9], [sflag:$0x5] =	stream.strided.gather [hbm4b:s8+s18], $0x800, s19, s18, $0x38;
	[tilespmem:$0x16000] =	vst v63  }
0x17: {  	_ =	swait.ge [sflag:s20], $0x800  }
0x18: {  	[sflag:s20] =	ssyncset.done $0x0  }
0x19: {  	s28 =	simm.s32 $0x1000;
	s26 =	rddreg [dreg:$0x5];
	[sflag:s20] =	ssyncadd.s32 $0xFFFFF800  }
0x1a: {  	[tilespmem:s28], [sflag:$0x5] =	stream.strided.gather [hbm4b:s26+s18], $0x800, s19, s18, $0x38;
	[tilespmem:$0x16000] =	vst v63  }
0x1b: {  	_ =	swait.ge [sflag:s20], $0x800  }
0x1c: {  	[sflag:s20] =	ssyncset.done $0x0  }
0x1d: {  	s9 =	simm.s32 $0x1800;
	[sflag:s20] =	ssyncadd.s32 $0xFFFFF800  }
0x1e: {  	[tilespmem:s9], [sflag:$0x5] =	stream.strided.gather [hbm4b:s10+s18], $0x800, s19, s18, $0x38;
	[tilespmem:$0x16000] =	vst v63  }
0x1f: {  	_ =	swait.ge [sflag:s20], $0x800  }
0x20: {  	[sflag:s20] =	ssyncset.done $0x0  }
0x21: {  	s23 =	simm.s32 $0x2000;
	[sflag:s20] =	ssyncadd.s32 $0xFFFFF800  }
0x22: {  	[tilespmem:s23], [sflag:$0x5] =	stream.strided.gather [hbm4b:s11+s18], $0x800, s19, s18, $0x38;
	[tilespmem:$0x16000] =	vst v63  }
0x23: {  	_ =	swait.ge [sflag:s20], $0x800  }
0x24: {  	[sflag:s20] =	ssyncset.done $0x0  }
0x25: {  	s24 =	simm.s32 $0x2800;
	[sflag:s20] =	ssyncadd.s32 $0xFFFFF800  }
0x26: {  	[tilespmem:s24], [sflag:$0x5] =	stream.strided.gather [hbm4b:s12+s18], $0x800, s19, s18, $0x38;
	[tilespmem:$0x16000] =	vst v63  }
0x27: {  	_ =	swait.ge [sflag:s20], $0x800  }
0x28: {  	[sflag:s20] =	ssyncset.done $0x0  }
0x29: {  	s25 =	simm.s32 $0x3000;
	[sflag:s20] =	ssyncadd.s32 $0xFFFFF800  }
0x2a: {  	[tilespmem:s25], [sflag:$0x5] =	stream.strided.gather [hbm4b:s13+s18], $0x800, s19, s18, $0x38;
	[tilespmem:$0x16000] =	vst v63  }
0x2b: {  	_ =	swait.ge [sflag:s20], $0x800  }
0x2c: {  	[sflag:s20] =	ssyncset.done $0x0  }
0x2d: {  	s26 =	simm.s32 $0x3800;
	[sflag:s20] =	ssyncadd.s32 $0xFFFFF800  }
0x2e: {  	[tilespmem:s26], [sflag:$0x5] =	stream.strided.gather [hbm4b:s14+s18], $0x800, s19, s18, $0x38;
	[tilespmem:$0x16000] =	vst v63  }
0x2f: {  	_ =	swait.ge [sflag:s20], $0x800  }
0x30: {  	s8 =	simm.s32 $0x4000;
	[sflag:s20] =	ssyncset.done $0x0  }
0x31: {  	s28 =	sadd.s32 $0x0, s15;
	s24 =	simm.s32 $0x80;
	[sflag:s20] =	ssyncadd.s32 $0xFFFFF800  }
0x32: {  	[tilespmem:s8], [sflag:$0x3] =	stream.linear.gather [hbm4b:s28+s4], $0x80, $0x38;
	[tilespmem:$0x16000] =	vst v63  }
.LBB2_2:
0x33: {  	p0 =	sne.s32 s24, $0xF80  }
.Ltmp0:
0x34: {  	_ = 	snop;
	(pc) =	sbr.rel @p0 .LBB2_2-.Ltmp0, $4  }
0x35: {  	_ = 	snop  }
0x36: {  	s9 =	sadd.s32 s24, s15;
	s8 =	sadd.s32 $0x100, s8  }
0x37: {  	s23 =	simm.s32 $0x0;
	s24 =	sadd.s32 $0x80, s24  }
0x38: {  	[tilespmem:s8], [sflag:$0x3] =	stream.linear.gather [hbm4b:s9+s23], $0x80, $0x38;
	[tilespmem:$0x16000] =	vst v63  }
.LBB2_3:
0x39: {  	s8 =	sshll.u32 s23, $0x1  }
0x3a: {  	s24 =	sadd.s32 s7, s8  }
0x3b: {  	s8 =	sshll.u32 s24, $0x9  }
0x3c: {  	s9 =	sshll.u32 s24, $0x4;
	s8 =	sand.u32 $0x3F000, s8  }
0x3d: {  	s9 =	sand.u32 $0x60, s9;
	s8 =	sadd.s32 s2, s8  }
0x3e: {  	_ =	swait.ge [sflag:s29], $0x1000;
	s26 =	simm.s32 $0x4080;
	s8 =	sadd.s32 s9, s8  }
0x3f: {  	s28 =	simm.s32 $0x80;
	[sflag:s29] =	ssyncset.done $0x0;
	s25 =	sadd.s32 $0x10, s8  }
0x40: {  	[sflag:s29] =	ssyncadd.s32 $0xFFFFF000;
	s8 =	simm.s32 $0x4180;
	s9 =	sadd.s32 $0x0, s25  }
.LBB2_4:
0x41: {  	[tilespmem:s26], [sflag:$0x4] =	stream.linear.gather [hbm4b:s9+s4], $0x80, $0x38;
	[tilespmem:$0x16000] =	vst v63  }
0x42: {  	s9 =	smov.u32 s28;
	s26 =	smov.u32 s8;
	p0 =	sne.s32 s28, $0xF80  }
.Ltmp1:
0x43: {  	s28 =	sadd.s32 $0x80, s28;
	(pc) =	sbr.rel @p0 .LBB2_4-.Ltmp1, $2  }
0x44: {  	_ =	sdelay $0x2  }
0x45: {  	s8 =	sadd.s32 $0x100, s8;
	s9 =	sadd.s32 s9, s25  }
0x46: {  	[tilespmem:s26], [sflag:$0x4] =	stream.linear.gather [hbm4b:s9+s4], $0x80, $0x38;
	[tilespmem:$0x16000] =	vst v63  }
0x47: {  	p0 =	seq.s32 s23, $0x0  }
0x48: {  	s8 =	simm.s32 @!p0 $0x1  }
0x49: {  	_ =	swait.ge @!p0 [sflag:s8], $0x8000  }
0x4a: {  	[sflag:s8] =	ssyncset.done @!p0 $0x0  }
0x4b: {  	s26 =	simm.s32 $0x4040;
	[sflag:s8] =	ssyncadd.s32 @!p0 $0xFFFF8000  }
0x4c: {  	v7 =	vld [tilespmem:s26+$0x30]  }
0x4d: {  	v5 =	vld [tilespmem:s26+$0xFFFFFFD0]  }
0x4e: {  	v4 =	vld [tilespmem:s26+$0xFFFFFFE0]  }
0x4f: {  	v3 =	vld [tilespmem:s26+$0xFFFFFFF0]  }
0x50: {  	v2 =	vld [tilespmem:s26+$0x0]  }
0x51: {  	v1 =	vld [tilespmem:s26+$0x10]  }
0x52: {  	v0 =	vld [tilespmem:s26+$0x20]  }
0x53: {  	v6 =	vld [tilespmem:s26+$0xFFFFFFC0]  }
0x54: {  	v8 =	vld.idx.msk [tilespmem:v7+s4+$0x0], $0xffff  }
0x55: {  	v9 =	vld.idx.msk [tilespmem:v5+s4+$0x0], $0xffff  }
0x56: {  	v10 =	vld.idx.msk [tilespmem:v4+s4+$0x0], $0xffff  }
0x57: {  	v11 =	vadd.s32 $0x800, v7;
	v12 =	vld.idx.msk [tilespmem:v3+s4+$0x0], $0xffff  }
0x58: {  	v13 =	vadd.s32 $0x800, v5;
	v14 =	vld.idx.msk [tilespmem:v2+s4+$0x0], $0xffff  }
0x59: {  	s26 =	simm.s32 $0x6200;
	v15 =	vadd.s32 $0x800, v4;
	v16 =	vld.idx.msk [tilespmem:v1+s4+$0x0], $0xffff  }
0x5a: {  	v17 =	vadd.s32 $0x800, v3;
	v18 =	vld.idx.msk [tilespmem:v0+s4+$0x0], $0xffff;
	[tilespmem:s26+$0xFFFFFE70] =	vst v8  }
0x5b: {  	v55 =	vadd.s32 $0x800, v1;
	v19 =	vld.idx.msk [tilespmem:v6+s4+$0x0], $0xffff;
	[tilespmem:s26+$0xFFFFFE10] =	vst v9  }
0x5c: {  	v58 =	vadd.s32 $0x800, v6;
	[tilespmem:s26+$0xFFFFFE20] =	vst v10;
	v54 =	vld.idx.msk [tilespmem:v11+s4+$0x0], $0xffff  }
0x5d: {  	v59 =	vadd.s32 $0x800, v0;
	[tilespmem:s26+$0xFFFFFE30] =	vst v12;
	v56 =	vld.idx.msk [tilespmem:v13+s4+$0x0], $0xffff  }
0x5e: {  	v8 =	vadd.s32 $0x800, v2;
	[tilespmem:s26+$0xFFFFFE40] =	vst v14;
	v15 =	vld.idx.msk [tilespmem:v15+s4+$0x0], $0xffff  }
0x5f: {  	v57 =	vadd.s32 $0x1000, v7;
	[tilespmem:s26+$0xFFFFFE50] =	vst v16;
	v17 =	vld.idx.msk [tilespmem:v17+s4+$0x0], $0xffff  }
0x60: {  	v60 =	vadd.s32 $0x1000, v5;
	[tilespmem:s26+$0xFFFFFE00] =	vst v19;
	v11 =	vld.idx.msk [tilespmem:v55+s4+$0x0], $0xffff  }
0x61: {  	v61 =	vadd.s32 $0x1000, v4;
	[tilespmem:s26+$0xFFFFFE60] =	vst v18;
	v13 =	vld.idx.msk [tilespmem:v58+s4+$0x0], $0xffff  }
0x62: {  	v62 =	vadd.s32 $0x1000, v3;
	v21 =	vld.idx.msk [tilespmem:v59+s4+$0x0], $0xffff;
	[tilespmem:s26+$0xFFFFFEF0] =	vst v54  }
0x63: {  	v23 =	vadd.s32 $0x1000, v6;
	v8 =	vld.idx.msk [tilespmem:v8+s4+$0x0], $0xffff;
	[tilespmem:s26+$0xFFFFFE90] =	vst v56  }
0x64: {  	v24 =	vadd.s32 $0x1000, v1;
	[tilespmem:s26+$0xFFFFFEA0] =	vst v15;
	v12 =	vld.idx.msk [tilespmem:v57+s4+$0x0], $0xffff  }
0x65: {  	v63 =	vadd.s32 $0x1000, v2;
	[tilespmem:s26+$0xFFFFFEB0] =	vst v17;
	v16 =	vld.idx.msk [tilespmem:v60+s4+$0x0], $0xffff  }
0x66: {  	v22 =	vadd.s32 $0x1800, v7;
	[tilespmem:s26+$0xFFFFFED0] =	vst v11;
	v18 =	vld.idx.msk [tilespmem:v61+s4+$0x0], $0xffff  }
0x67: {  	v25 =	vadd.s32 $0x1800, v5;
	[tilespmem:s26+$0xFFFFFE80] =	vst v13;
	v9 =	vld.idx.msk [tilespmem:v62+s4+$0x0], $0xffff  }
0x68: {  	v26 =	vadd.s32 $0x1800, v4;
	[tilespmem:s26+$0xFFFFFEE0] =	vst v21;
	v15 =	vld.idx.msk [tilespmem:v23+s4+$0x0], $0xffff  }
0x69: {  	v28 =	vadd.s32 $0x1800, v3;
	v29 =	vld.idx.msk [tilespmem:v24+s4+$0x0], $0xffff;
	[tilespmem:s26+$0xFFFFFEC0] =	vst v8  }
0x6a: {  	v31 =	vadd.s32 $0x1800, v6;
	v19 =	vld.idx.msk [tilespmem:v63+s4+$0x0], $0xffff;
	[tilespmem:s26+$0xFFFFFF70] =	vst v12  }
0x6b: {  	v33 =	vadd.s32 $0x1800, v1;
	[tilespmem:s26+$0xFFFFFF10] =	vst v16;
	v27 =	vld.idx.msk [tilespmem:v22+s4+$0x0], $0xffff  }
0x6c: {  	v8 =	vadd.s32 $0x1000, v0;
	[tilespmem:s26+$0xFFFFFF20] =	vst v18;
	v11 =	vld.idx.msk [tilespmem:v25+s4+$0x0], $0xffff  }
0x6d: {  	v32 =	vadd.s32 $0x1800, v2;
	[tilespmem:s26+$0xFFFFFF30] =	vst v9;
	v12 =	vld.idx.msk [tilespmem:v26+s4+$0x0], $0xffff  }
0x6e: {  	v30 =	vadd.s32 $0x2000, v7;
	[tilespmem:s26+$0xFFFFFF00] =	vst v15;
	v14 =	vld.idx.msk [tilespmem:v28+s4+$0x0], $0xffff  }
0x6f: {  	v35 =	vadd.s32 $0x2000, v5;
	[tilespmem:s26+$0xFFFFFF50] =	vst v29;
	v17 =	vld.idx.msk [tilespmem:v31+s4+$0x0], $0xffff  }
0x70: {  	v37 =	vadd.s32 $0x2000, v4;
	v9 =	vld.idx.msk [tilespmem:v33+s4+$0x0], $0xffff;
	[tilespmem:s26+$0xFFFFFF40] =	vst v19  }
0x71: {  	v39 =	vadd.s32 $0x2000, v6;
	v8 =	vld.idx.msk [tilespmem:v8+s4+$0x0], $0xffff;
	[tilespmem:s26+$0xFFFFFFF0] =	vst v27  }
0x72: {  	v40 =	vadd.s32 $0x2000, v3;
	v38 =	vld.idx.msk [tilespmem:v32+s4+$0x0], $0xffff;
	[tilespmem:s26+$0xFFFFFF90] =	vst v11  }
0x73: {  	v43 =	vadd.s32 $0x2000, v1;
	[tilespmem:s26+$0xFFFFFFA0] =	vst v12;
	v36 =	vld.idx.msk [tilespmem:v30+s4+$0x0], $0xffff  }
0x74: {  	v34 =	vadd.s32 $0x1800, v0;
	[tilespmem:s26+$0xFFFFFFB0] =	vst v14;
	v13 =	vld.idx.msk [tilespmem:v35+s4+$0x0], $0xffff  }
0x75: {  	v42 =	vadd.s32 $0x2000, v2;
	[tilespmem:s26+$0xFFFFFF80] =	vst v17;
	v16 =	vld.idx.msk [tilespmem:v37+s4+$0x0], $0xffff  }
0x76: {  	v18 =	vld.idx.msk [tilespmem:v39+s4+$0x0], $0xffff;
	[tilespmem:s26+$0xFFFFFF60] =	vst v8;
	v8 =	vadd.s32 $0x2800, v7  }
0x77: {  	v45 =	vadd.s32 $0x2800, v5;
	[tilespmem:s26+$0xFFFFFFD0] =	vst v9;
	v46 =	vld.idx.msk [tilespmem:v40+s4+$0x0], $0xffff  }
0x78: {  	v48 =	vadd.s32 $0x2800, v6;
	v50 =	vld.idx.msk [tilespmem:v43+s4+$0x0], $0xffff;
	[tilespmem:s26+$0xFFFFFFC0] =	vst v38  }
0x79: {  	v49 =	vadd.s32 $0x2800, v4;
	v41 =	vld.idx.msk [tilespmem:v34+s4+$0x0], $0xffff;
	[tilespmem:s26+$0x70] =	vst v36  }
0x7a: {  	v44 =	vadd.s32 $0x2000, v0;
	v19 =	vld.idx.msk [tilespmem:v42+s4+$0x0], $0xffff;
	[tilespmem:s26+$0x10] =	vst v13  }
0x7b: {  	v51 =	vadd.s32 $0x2800, v3;
	[tilespmem:s26+$0x20] =	vst v16;
	v8 =	vld.idx.msk [tilespmem:v8+s4+$0x0], $0xffff  }
0x7c: {  	v47 =	vadd.s32 $0x3000, v7;
	[tilespmem:s26+$0x0] =	vst v18;
	v17 =	vld.idx.msk [tilespmem:v45+s4+$0x0], $0xffff  }
0x7d: {  	v52 =	vadd.s32 $0x2800, v2;
	[tilespmem:s26+$0x30] =	vst v46;
	v11 =	vld.idx.msk [tilespmem:v48+s4+$0x0], $0xffff  }
0x7e: {  	v55 =	vadd.s32 $0x3000, v6;
	v54 =	vld.idx.msk [tilespmem:v49+s4+$0x0], $0xffff;
	[tilespmem:s26+$0xFFFFFFE0] =	vst v41  }
0x7f: {  	v56 =	vadd.s32 $0x3000, v5;
	[tilespmem:s26+$0x50] =	vst v50;
	v15 =	vld.idx.msk [tilespmem:v44+s4+$0x0], $0xffff  }
0x80: {  	v53 =	vadd.s32 $0x2800, v0;
	v14 =	vld.idx.msk [tilespmem:v51+s4+$0x0], $0xffff;
	[tilespmem:s26+$0xF0] =	vst v8  }
0x81: {  	[tilespmem:s26+$0x40] =	vst v19;
	v8 =	vadd.s32 $0x2800, v1;
	v9 =	vld.idx.msk [tilespmem:v47+s4+$0x0], $0xffff  }
0x82: {  	v7 =	vadd.s32 $0x3800, v7;
	v16 =	vld.idx.msk [tilespmem:v52+s4+$0x0], $0xffff;
	[tilespmem:s26+$0x80] =	vst v11  }
0x83: {  	v57 =	vadd.s32 $0x3000, v4;
	[tilespmem:s26+$0x90] =	vst v17;
	v12 =	vld.idx.msk [tilespmem:v55+s4+$0x0], $0xffff  }
0x84: {  	v58 =	vadd.s32 $0x3000, v3;
	v13 =	vld.idx.msk [tilespmem:v56+s4+$0x0], $0xffff;
	[tilespmem:s26+$0x60] =	vst v15  }
0x85: {  	v59 =	vadd.s32 $0x3000, v2;
	[tilespmem:s26+$0xA0] =	vst v54;
	v18 =	vld.idx.msk [tilespmem:v53+s4+$0x0], $0xffff  }
0x86: {  	v6 =	vadd.s32 $0x3800, v6;
	v8 =	vld.idx.msk [tilespmem:v8+s4+$0x0], $0xffff;
	[tilespmem:s26+$0x170] =	vst v9  }
0x87: {  	v60 =	vadd.s32 $0x3000, v1;
	[tilespmem:s26+$0xB0] =	vst v14;
	v7 =	vld.idx.msk [tilespmem:v7+s4+$0x0], $0xffff  }
0x88: {  	v61 =	vadd.s32 $0x3000, v0;
	v62 =	vld.idx.msk [tilespmem:v57+s4+$0x0], $0xffff;
	[tilespmem:s26+$0xC0] =	vst v16  }
0x89: {  	v5 =	vadd.s32 $0x3800, v5;
	v63 =	vld.idx.msk [tilespmem:v58+s4+$0x0], $0xffff;
	[tilespmem:s26+$0x100] =	vst v12  }
0x8a: {  	v3 =	vadd.s32 $0x3800, v3;
	v9 =	vld.idx.msk [tilespmem:v59+s4+$0x0], $0xffff;
	[tilespmem:s26+$0xE0] =	vst v18  }
0x8b: {  	v12 =	vld.idx.msk [tilespmem:v6+s4+$0x0], $0xffff;
	[tilespmem:s26+$0xD0] =	vst v8;
	v8 =	vadd.s32 $0x3800, v4  }
0x8c: {  	v11 =	vld.idx.msk [tilespmem:v60+s4+$0x0], $0xffff;
	[tilespmem:s26+$0x1F0] =	vst v7;
	v7 =	vadd.s32 $0x3800, v2  }
0x8d: {  	v1 =	vadd.s32 $0x3800, v1;
	[tilespmem:s26+$0x110] =	vst v13;
	v10 =	vld.idx.msk [tilespmem:v61+s4+$0x0], $0xffff  }
0x8e: {  	v0 =	vadd.s32 $0x3800, v0;
	[tilespmem:s26+$0x130] =	vst v63;
	v4 =	vld.idx.msk [tilespmem:v5+s4+$0x0], $0xffff  }
0x8f: {  	[tilespmem:s26+$0x120] =	vst v62;
	v2 =	vld.idx.msk [tilespmem:v3+s4+$0x0], $0xffff  }
0x90: {  	[tilespmem:s26+$0x140] =	vst v9;
	v5 =	vld.idx.msk [tilespmem:v8+s4+$0x0], $0xffff  }
0x91: {  	[tilespmem:s26+$0x150] =	vst v11;
	v6 =	vld.idx.msk [tilespmem:v7+s4+$0x0], $0xffff  }
0x92: {  	[tilespmem:s26+$0x160] =	vst v10;
	v3 =	vld.idx.msk [tilespmem:v1+s4+$0x0], $0xffff  }
0x93: {  	s25 =	simm.s32 $0x0;
	s28 =	simm.s32 $0x4140;
	[tilespmem:s26+$0x180] =	vst v12;
	v1 =	vld.idx.msk [tilespmem:v0+s4+$0x0], $0xffff  }
.LBB2_6:
0x94: {  	v0 =	vld [tilespmem:s28+$0x30];
	s25 =	sadd.s32 $0x80, s25;
	[tilespmem:s26+$0x190] =	vst v4  }
0x95: {  	v7 =	vld [tilespmem:s28+$0xFFFFFFD0];
	p1 =	slt.u32 s25, $0xF80;
	[tilespmem:s26+$0x1A0] =	vst v5  }
0x96: {  	v5 =	vld [tilespmem:s28+$0xFFFFFFE0];
	[tilespmem:s26+$0x1B0] =	vst v2  }
0x97: {  	v2 =	vld [tilespmem:s28+$0xFFFFFFF0];
	[tilespmem:s26+$0x1C0] =	vst v6  }
0x98: {  	v6 =	vld [tilespmem:s28+$0x0];
	[tilespmem:s26+$0x1D0] =	vst v3  }
0x99: {  	v3 =	vld [tilespmem:s28+$0x10];
	[tilespmem:s26+$0x1E0] =	vst v1  }
0x9a: {  	v1 =	vadd.s32 $0x800, v7;
	v21 =	vadd.s32 $0x1000, v7;
	v22 =	vadd.s32 $0x1800, v7;
	v23 =	vld [tilespmem:s28+$0x20]  }
0x9b: {  	v4 =	vld [tilespmem:s28+$0xFFFFFFC0];
	v8 =	vadd.s32 $0x800, v5;
	v24 =	vadd.s32 $0x1000, v5;
	v25 =	vadd.s32 $0x1800, v5  }
0x9c: {  	v9 =	vadd.s32 $0x800, v2;
	v26 =	vadd.s32 $0x1000, v2;
	v27 =	vadd.s32 $0x1800, v2;
	v10 =	vld.idx.msk [tilespmem:v0+s4+$0x0], $0xffff  }
0x9d: {  	v11 =	vld.idx.msk [tilespmem:v7+s4+$0x0], $0xffff;
	v12 =	vadd.s32 $0x800, v6;
	v28 =	vadd.s32 $0x1000, v6;
	v29 =	vadd.s32 $0x1800, v6  }
0x9e: {  	v14 =	vadd.s32 $0x800, v0;
	v13 =	vld.idx.msk [tilespmem:v5+s4+$0x0], $0xffff;
	v30 =	vadd.s32 $0x800, v3;
	v31 =	vadd.s32 $0x1000, v3  }
0x9f: {  	v32 =	vadd.s32 $0x1800, v3;
	v16 =	vld.idx.msk [tilespmem:v2+s4+$0x0], $0xffff;
	v33 =	vadd.s32 $0x800, v23;
	v34 =	vadd.s32 $0x1000, v23  }
0xa0: {  	v35 =	vadd.s32 $0x800, v4;
	v36 =	vadd.s32 $0x1000, v4;
	v37 =	vadd.s32 $0x1800, v4;
	v20 =	vld.idx.msk [tilespmem:v6+s4+$0x0], $0xffff  }
0xa1: {  	s26 =	sadd.s32 $0x400, s26;
	v39 =	vadd.s32 $0x2000, v7;
	v41 =	vadd.s32 $0x1800, v23;
	v38 =	vadd.s32 $0x2000, v4;
	v40 =	vld.idx.msk [tilespmem:v3+s4+$0x0], $0xffff  }
0xa2: {  	v42 =	vadd.s32 $0x2000, v5;
	v43 =	vadd.s32 $0x2000, v2;
	v44 =	vadd.s32 $0x2000, v6;
	v45 =	vld.idx.msk [tilespmem:v23+s4+$0x0], $0xffff;
	[tilespmem:s26+$0xFFFFFE70] =	vst v10  }
0xa3: {  	v46 =	vadd.s32 $0x2000, v3;
	v47 =	vadd.s32 $0x2000, v23;
	v15 =	vadd.s32 $0x2800, v4;
	[tilespmem:s26+$0xFFFFFE10] =	vst v11;
	v48 =	vld.idx.msk [tilespmem:v14+s4+$0x0], $0xffff  }
0xa4: {  	v50 =	vadd.s32 $0x2800, v7;
	v19 =	vadd.s32 $0x2800, v5;
	v17 =	vadd.s32 $0x2800, v2;
	v49 =	vld.idx.msk [tilespmem:v4+s4+$0x0], $0xffff;
	[tilespmem:s26+$0xFFFFFE20] =	vst v13  }
0xa5: {  	v52 =	vadd.s32 $0x1000, v0;
	v18 =	vadd.s32 $0x2800, v6;
	v51 =	vld.idx.msk [tilespmem:v1+s4+$0x0], $0xffff;
	[tilespmem:s26+$0xFFFFFE30] =	vst v16;
	v16 =	vadd.s32 $0x2800, v3  }
0xa6: {  	v10 =	vadd.s32 $0x3000, v7;
	v13 =	vadd.s32 $0x3000, v4;
	v53 =	vld.idx.msk [tilespmem:v8+s4+$0x0], $0xffff;
	[tilespmem:s26+$0xFFFFFE40] =	vst v20;
	v20 =	vadd.s32 $0x2800, v23  }
0xa7: {  	v14 =	vadd.s32 $0x3000, v5;
	v11 =	vadd.s32 $0x3000, v2;
	v8 =	vadd.s32 $0x3000, v6;
	v54 =	vld.idx.msk [tilespmem:v9+s4+$0x0], $0xffff;
	[tilespmem:s26+$0xFFFFFE50] =	vst v40  }
0xa8: {  	v4 =	vadd.s32 $0x3800, v4;
	v9 =	vadd.s32 $0x3000, v23;
	v40 =	vld.idx.msk [tilespmem:v12+s4+$0x0], $0xffff;
	v12 =	vadd.s32 $0x3000, v3;
	[tilespmem:s26+$0xFFFFFE60] =	vst v45  }
0xa9: {  	v7 =	vadd.s32 $0x3800, v7;
	v5 =	vadd.s32 $0x3800, v5;
	v2 =	vadd.s32 $0x3800, v2;
	v30 =	vld.idx.msk [tilespmem:v30+s4+$0x0], $0xffff;
	[tilespmem:s26+$0xFFFFFEF0] =	vst v48  }
0xaa: {  	v1 =	vadd.s32 $0x3800, v23;
	v6 =	vadd.s32 $0x3800, v6;
	v3 =	vadd.s32 $0x3800, v3;
	[tilespmem:s26+$0xFFFFFE00] =	vst v49;
	v23 =	vld.idx.msk [tilespmem:v52+s4+$0x0], $0xffff  }
0xab: {  	v35 =	vld.idx.msk [tilespmem:v35+s4+$0x0], $0xffff;
	[tilespmem:s26+$0xFFFFFE90] =	vst v51  }
0xac: {  	v45 =	vadd.s32 $0x1800, v0;
	[tilespmem:s26+$0xFFFFFEA0] =	vst v53;
	v33 =	vld.idx.msk [tilespmem:v33+s4+$0x0], $0xffff  }
0xad: {  	v21 =	vld.idx.msk [tilespmem:v21+s4+$0x0], $0xffff;
	[tilespmem:s26+$0xFFFFFEB0] =	vst v54  }
0xae: {  	v24 =	vld.idx.msk [tilespmem:v24+s4+$0x0], $0xffff;
	[tilespmem:s26+$0xFFFFFEC0] =	vst v40  }
0xaf: {  	v26 =	vld.idx.msk [tilespmem:v26+s4+$0x0], $0xffff;
	[tilespmem:s26+$0xFFFFFED0] =	vst v30  }
0xb0: {  	v28 =	vld.idx.msk [tilespmem:v28+s4+$0x0], $0xffff;
	[tilespmem:s26+$0xFFFFFF70] =	vst v23  }
0xb1: {  	[tilespmem:s26+$0xFFFFFE80] =	vst v35;
	v23 =	vld.idx.msk [tilespmem:v45+s4+$0x0], $0xffff  }
0xb2: {  	v30 =	vld.idx.msk [tilespmem:v36+s4+$0x0], $0xffff;
	[tilespmem:s26+$0xFFFFFEE0] =	vst v33  }
0xb3: {  	[tilespmem:s26+$0xFFFFFF10] =	vst v21;
	v21 =	vld.idx.msk [tilespmem:v31+s4+$0x0], $0xffff;
	v31 =	vadd.s32 $0x2000, v0  }
0xb4: {  	[tilespmem:s26+$0xFFFFFF20] =	vst v24;
	v24 =	vld.idx.msk [tilespmem:v34+s4+$0x0], $0xffff  }
0xb5: {  	v22 =	vld.idx.msk [tilespmem:v22+s4+$0x0], $0xffff;
	[tilespmem:s26+$0xFFFFFF30] =	vst v26  }
0xb6: {  	v25 =	vld.idx.msk [tilespmem:v25+s4+$0x0], $0xffff;
	[tilespmem:s26+$0xFFFFFF40] =	vst v28  }
0xb7: {  	v26 =	vld.idx.msk [tilespmem:v27+s4+$0x0], $0xffff;
	[tilespmem:s26+$0xFFFFFFF0] =	vst v23  }
0xb8: {  	[tilespmem:s26+$0xFFFFFF00] =	vst v30;
	v23 =	vld.idx.msk [tilespmem:v31+s4+$0x0], $0xffff  }
0xb9: {  	v27 =	vld.idx.msk [tilespmem:v37+s4+$0x0], $0xffff;
	[tilespmem:s26+$0xFFFFFF50] =	vst v21  }
0xba: {  	v21 =	vld.idx.msk [tilespmem:v29+s4+$0x0], $0xffff;
	[tilespmem:s26+$0xFFFFFF60] =	vst v24;
	v24 =	vadd.s32 $0x2800, v0  }
0xbb: {  	[tilespmem:s26+$0xFFFFFF90] =	vst v22;
	v22 =	vld.idx.msk [tilespmem:v32+s4+$0x0], $0xffff  }
0xbc: {  	[tilespmem:s26+$0xFFFFFFA0] =	vst v25;
	v25 =	vld.idx.msk [tilespmem:v41+s4+$0x0], $0xffff  }
0xbd: {  	v28 =	vld.idx.msk [tilespmem:v39+s4+$0x0], $0xffff;
	[tilespmem:s26+$0xFFFFFFB0] =	vst v26  }
0xbe: {  	v26 =	vld.idx.msk [tilespmem:v42+s4+$0x0], $0xffff;
	[tilespmem:s26+$0x70] =	vst v23  }
0xbf: {  	[tilespmem:s26+$0xFFFFFF80] =	vst v27;
	v23 =	vld.idx.msk [tilespmem:v24+s4+$0x0], $0xffff  }
0xc0: {  	v24 =	vld.idx.msk [tilespmem:v38+s4+$0x0], $0xffff;
	[tilespmem:s26+$0xFFFFFFC0] =	vst v21  }
0xc1: {  	v21 =	vld.idx.msk [tilespmem:v43+s4+$0x0], $0xffff;
	[tilespmem:s26+$0xFFFFFFD0] =	vst v22;
	v22 =	vadd.s32 $0x3000, v0  }
0xc2: {  	v27 =	vld.idx.msk [tilespmem:v44+s4+$0x0], $0xffff;
	[tilespmem:s26+$0xFFFFFFE0] =	vst v25  }
0xc3: {  	[tilespmem:s26+$0x10] =	vst v28;
	v25 =	vld.idx.msk [tilespmem:v46+s4+$0x0], $0xffff  }
0xc4: {  	[tilespmem:s26+$0x20] =	vst v26;
	v26 =	vld.idx.msk [tilespmem:v47+s4+$0x0], $0xffff  }
0xc5: {  	v28 =	vld.idx.msk [tilespmem:v50+s4+$0x0], $0xffff;
	[tilespmem:s26+$0xF0] =	vst v23  }
0xc6: {  	[tilespmem:s26+$0x0] =	vst v24;
	v22 =	vld.idx.msk [tilespmem:v22+s4+$0x0], $0xffff  }
0xc7: {  	v15 =	vld.idx.msk [tilespmem:v15+s4+$0x0], $0xffff;
	[tilespmem:s26+$0x30] =	vst v21  }
0xc8: {  	v0 =	vadd.s32 $0x3800, v0;
	v19 =	vld.idx.msk [tilespmem:v19+s4+$0x0], $0xffff;
	[tilespmem:s26+$0x40] =	vst v27  }
0xc9: {  	v17 =	vld.idx.msk [tilespmem:v17+s4+$0x0], $0xffff;
	[tilespmem:s26+$0x50] =	vst v25  }
0xca: {  	v18 =	vld.idx.msk [tilespmem:v18+s4+$0x0], $0xffff;
	[tilespmem:s26+$0x60] =	vst v26  }
0xcb: {  	[tilespmem:s26+$0x90] =	vst v28;
	v16 =	vld.idx.msk [tilespmem:v16+s4+$0x0], $0xffff  }
0xcc: {  	v20 =	vld.idx.msk [tilespmem:v20+s4+$0x0], $0xffff;
	[tilespmem:s26+$0x170] =	vst v22  }
0xcd: {  	[tilespmem:s26+$0x80] =	vst v15;
	v0 =	vld.idx.msk [tilespmem:v0+s4+$0x0], $0xffff  }
0xce: {  	v13 =	vld.idx.msk [tilespmem:v13+s4+$0x0], $0xffff;
	[tilespmem:s26+$0xA0] =	vst v19  }
0xcf: {  	v10 =	vld.idx.msk [tilespmem:v10+s4+$0x0], $0xffff;
	[tilespmem:s26+$0xB0] =	vst v17  }
0xd0: {  	v14 =	vld.idx.msk [tilespmem:v14+s4+$0x0], $0xffff;
	[tilespmem:s26+$0xC0] =	vst v18  }
0xd1: {  	v11 =	vld.idx.msk [tilespmem:v11+s4+$0x0], $0xffff;
	[tilespmem:s26+$0xD0] =	vst v16  }
0xd2: {  	v8 =	vld.idx.msk [tilespmem:v8+s4+$0x0], $0xffff;
	[tilespmem:s26+$0xE0] =	vst v20  }
0xd3: {  	v12 =	vld.idx.msk [tilespmem:v12+s4+$0x0], $0xffff;
	[tilespmem:s26+$0x1F0] =	vst v0  }
0xd4: {  	[tilespmem:s26+$0x100] =	vst v13;
	v0 =	vld.idx.msk [tilespmem:v9+s4+$0x0], $0xffff  }
0xd5: {  	v9 =	vld.idx.msk [tilespmem:v4+s4+$0x0], $0xffff;
	[tilespmem:s26+$0x110] =	vst v10  }
0xd6: {  	v4 =	vld.idx.msk [tilespmem:v7+s4+$0x0], $0xffff;
	[tilespmem:s26+$0x120] =	vst v14  }
.Ltmp2:
0xd7: {  	v5 =	vld.idx.msk [tilespmem:v5+s4+$0x0], $0xffff;
	[tilespmem:s26+$0x130] =	vst v11;
	(pc) =	sbr.rel @p1 .LBB2_6-.Ltmp2, $4  }
0xd8: {  	v2 =	vld.idx.msk [tilespmem:v2+s4+$0x0], $0xffff;
	[tilespmem:s26+$0x140] =	vst v8  }
0xd9: {  	v6 =	vld.idx.msk [tilespmem:v6+s4+$0x0], $0xffff;
	[tilespmem:s26+$0x150] =	vst v12  }
0xda: {  	v3 =	vld.idx.msk [tilespmem:v3+s4+$0x0], $0xffff;
	[tilespmem:s26+$0x160] =	vst v0  }
0xdb: {  	s28 =	sadd.s32 $0x100, s28;
	[tilespmem:s26+$0x180] =	vst v9;
	v1 =	vld.idx.msk [tilespmem:v1+s4+$0x0], $0xffff  }
0xdc: {  	[tilespmem:s26+$0x190] =	vst v4  }
0xdd: {  	[tilespmem:s26+$0x1A0] =	vst v5  }
0xde: {  	[tilespmem:s26+$0x1B0] =	vst v2  }
0xdf: {  	s8 =	sshll.u32 s24, $0xF;
	[tilespmem:s26+$0x1C0] =	vst v6  }
0xe0: {  	p1 =	seq.s32 s23, $0x18;
	s25 =	sor.u32 s6, s8;
	[tilespmem:s26+$0x1D0] =	vst v3  }
.Ltmp3:
0xe1: {  	s8 =	sadd.s32 s3, s25;
	[tilespmem:s26+$0x1E0] =	vst v1;
	(pc) =	sbr.rel @p1 .LBB2_11-.Ltmp3, $4  }
0xe2: {  	[hbm4b:s8+s4] =	stream.linear.scatter [tilespmem:s30], [sflag:$0x1], $0x8000, $0x38;
	[tilespmem:$0x16000] =	vst v63  }
0xe3: {  	_ =	swait.ge [sflag:s31], $0x1000  }
0xe4: {  	[sflag:s31] =	ssyncset.done $0x0  }
0xe5: {  	[sflag:s31] =	ssyncadd.s32 $0xFFFFF000  }
0xe6: {  	s8 =	sadd.s32 $0x2, s24  }
0xe7: {  	s9 =	sshll.u32 s8, $0x4  }
0xe8: {  	s8 =	sshll.u32 s8, $0x9;
	s9 =	sand.u32 $0x60, s9  }
0xe9: {  	s8 =	sand.u32 $0xFFFF000, s8;
	s9 =	sadd.s32 s2, s9  }
0xea: {  	s26 =	simm.s32 $0x4000;
	s24 =	sadd.s32 s8, s9  }
0xeb: {  	s28 =	simm.s32 $0x80;
	s8 =	simm.s32 $0x4100;
	s9 =	sadd.s32 $0x0, s24  }
.LBB2_9:
0xec: {  	[tilespmem:s26], [sflag:$0x3] =	stream.linear.gather [hbm4b:s9+s4], $0x80, $0x38;
	[tilespmem:$0x16000] =	vst v63  }
0xed: {  	s9 =	smov.u32 s28;
	s26 =	smov.u32 s8;
	p1 =	sne.s32 s28, $0xF80  }
.Ltmp4:
0xee: {  	s28 =	sadd.s32 $0x80, s28;
	(pc) =	sbr.rel @p1 .LBB2_9-.Ltmp4, $2  }
0xef: {  	_ =	sdelay $0x2  }
0xf0: {  	s8 =	sadd.s32 $0x100, s8;
	s9 =	sadd.s32 s9, s24  }
.Ltmp5:
0xf1: {  	(pc) =	sbr.rel @p0 .LBB2_12-.Ltmp5, $2  }
0xf2: {  	_ =	sdelay $0x2  }
0xf3: {  	[tilespmem:s26], [sflag:$0x3] =	stream.linear.gather [hbm4b:s9+s4], $0x80, $0x38;
	[tilespmem:$0x16000] =	vst v63  }
.LBB2_11:
0xf4: {  	_ =	swait.ge [sflag:s0], $0x8000  }
0xf5: {  	[sflag:s0] =	ssyncset.done $0x0  }
0xf6: {  	[sflag:s0] =	ssyncadd.s32 $0xFFFF8000  }
.LBB2_12:
0xf7: {  	s8 =	simm.s32 $0x40F0  }
0xf8: {  	v7 =	vld [tilespmem:s8+$0x0]  }
0xf9: {  	v5 =	vld [tilespmem:s8+$0xFFFFFFA0]  }
0xfa: {  	v4 =	vld [tilespmem:s8+$0xFFFFFFB0]  }
0xfb: {  	v3 =	vld [tilespmem:s8+$0xFFFFFFC0]  }
0xfc: {  	v2 =	vld [tilespmem:s8+$0xFFFFFFD0]  }
0xfd: {  	v1 =	vld [tilespmem:s8+$0xFFFFFFE0]  }
0xfe: {  	v0 =	vld [tilespmem:s8+$0xFFFFFFF0]  }
0xff: {  	v6 =	vld [tilespmem:s8+$0xFFFFFF90]  }
0x100: {  	v8 =	vld.idx.msk [tilespmem:v7+s4+$0x0], $0xffff  }
0x101: {  	v9 =	vld.idx.msk [tilespmem:v5+s4+$0x0], $0xffff  }
0x102: {  	v10 =	vld.idx.msk [tilespmem:v4+s4+$0x0], $0xffff  }
0x103: {  	v11 =	vadd.s32 $0x800, v7;
	v12 =	vld.idx.msk [tilespmem:v3+s4+$0x0], $0xffff  }
0x104: {  	v13 =	vadd.s32 $0x800, v5;
	v14 =	vld.idx.msk [tilespmem:v2+s4+$0x0], $0xffff  }
0x105: {  	s24 =	simm.s32 $0xE3F0;
	v15 =	vadd.s32 $0x800, v4;
	v16 =	vld.idx.msk [tilespmem:v1+s4+$0x0], $0xffff  }
0x106: {  	v17 =	vadd.s32 $0x800, v3;
	v18 =	vld.idx.msk [tilespmem:v0+s4+$0x0], $0xffff;
	[tilespmem:s24+$0xFFFFFC80] =	vst v8  }
0x107: {  	v55 =	vadd.s32 $0x800, v1;
	v19 =	vld.idx.msk [tilespmem:v6+s4+$0x0], $0xffff;
	[tilespmem:s24+$0xFFFFFC20] =	vst v9  }
0x108: {  	v58 =	vadd.s32 $0x800, v6;
	[tilespmem:s24+$0xFFFFFC30] =	vst v10;
	v54 =	vld.idx.msk [tilespmem:v11+s4+$0x0], $0xffff  }
0x109: {  	v59 =	vadd.s32 $0x800, v0;
	[tilespmem:s24+$0xFFFFFC40] =	vst v12;
	v56 =	vld.idx.msk [tilespmem:v13+s4+$0x0], $0xffff  }
0x10a: {  	v8 =	vadd.s32 $0x800, v2;
	[tilespmem:s24+$0xFFFFFC50] =	vst v14;
	v15 =	vld.idx.msk [tilespmem:v15+s4+$0x0], $0xffff  }
0x10b: {  	v57 =	vadd.s32 $0x1000, v7;
	[tilespmem:s24+$0xFFFFFC60] =	vst v16;
	v17 =	vld.idx.msk [tilespmem:v17+s4+$0x0], $0xffff  }
0x10c: {  	v60 =	vadd.s32 $0x1000, v5;
	[tilespmem:s24+$0xFFFFFC10] =	vst v19;
	v11 =	vld.idx.msk [tilespmem:v55+s4+$0x0], $0xffff  }
0x10d: {  	v61 =	vadd.s32 $0x1000, v4;
	[tilespmem:s24+$0xFFFFFC70] =	vst v18;
	v13 =	vld.idx.msk [tilespmem:v58+s4+$0x0], $0xffff  }
0x10e: {  	v62 =	vadd.s32 $0x1000, v3;
	v21 =	vld.idx.msk [tilespmem:v59+s4+$0x0], $0xffff;
	[tilespmem:s24+$0xFFFFFD00] =	vst v54  }
0x10f: {  	v23 =	vadd.s32 $0x1000, v6;
	v8 =	vld.idx.msk [tilespmem:v8+s4+$0x0], $0xffff;
	[tilespmem:s24+$0xFFFFFCA0] =	vst v56  }
0x110: {  	v24 =	vadd.s32 $0x1000, v1;
	[tilespmem:s24+$0xFFFFFCB0] =	vst v15;
	v12 =	vld.idx.msk [tilespmem:v57+s4+$0x0], $0xffff  }
0x111: {  	v63 =	vadd.s32 $0x1000, v2;
	[tilespmem:s24+$0xFFFFFCC0] =	vst v17;
	v16 =	vld.idx.msk [tilespmem:v60+s4+$0x0], $0xffff  }
0x112: {  	v22 =	vadd.s32 $0x1800, v7;
	[tilespmem:s24+$0xFFFFFCE0] =	vst v11;
	v18 =	vld.idx.msk [tilespmem:v61+s4+$0x0], $0xffff  }
0x113: {  	v25 =	vadd.s32 $0x1800, v5;
	[tilespmem:s24+$0xFFFFFC90] =	vst v13;
	v9 =	vld.idx.msk [tilespmem:v62+s4+$0x0], $0xffff  }
0x114: {  	v26 =	vadd.s32 $0x1800, v4;
	[tilespmem:s24+$0xFFFFFCF0] =	vst v21;
	v15 =	vld.idx.msk [tilespmem:v23+s4+$0x0], $0xffff  }
0x115: {  	v28 =	vadd.s32 $0x1800, v3;
	v29 =	vld.idx.msk [tilespmem:v24+s4+$0x0], $0xffff;
	[tilespmem:s24+$0xFFFFFCD0] =	vst v8  }
0x116: {  	v31 =	vadd.s32 $0x1800, v6;
	v19 =	vld.idx.msk [tilespmem:v63+s4+$0x0], $0xffff;
	[tilespmem:s24+$0xFFFFFD80] =	vst v12  }
0x117: {  	v33 =	vadd.s32 $0x1800, v1;
	[tilespmem:s24+$0xFFFFFD20] =	vst v16;
	v27 =	vld.idx.msk [tilespmem:v22+s4+$0x0], $0xffff  }
0x118: {  	v8 =	vadd.s32 $0x1000, v0;
	[tilespmem:s24+$0xFFFFFD30] =	vst v18;
	v11 =	vld.idx.msk [tilespmem:v25+s4+$0x0], $0xffff  }
0x119: {  	v32 =	vadd.s32 $0x1800, v2;
	[tilespmem:s24+$0xFFFFFD40] =	vst v9;
	v12 =	vld.idx.msk [tilespmem:v26+s4+$0x0], $0xffff  }
0x11a: {  	v30 =	vadd.s32 $0x2000, v7;
	[tilespmem:s24+$0xFFFFFD10] =	vst v15;
	v14 =	vld.idx.msk [tilespmem:v28+s4+$0x0], $0xffff  }
0x11b: {  	v35 =	vadd.s32 $0x2000, v5;
	[tilespmem:s24+$0xFFFFFD60] =	vst v29;
	v17 =	vld.idx.msk [tilespmem:v31+s4+$0x0], $0xffff  }
0x11c: {  	v37 =	vadd.s32 $0x2000, v4;
	v9 =	vld.idx.msk [tilespmem:v33+s4+$0x0], $0xffff;
	[tilespmem:s24+$0xFFFFFD50] =	vst v19  }
0x11d: {  	v39 =	vadd.s32 $0x2000, v6;
	v8 =	vld.idx.msk [tilespmem:v8+s4+$0x0], $0xffff;
	[tilespmem:s24+$0xFFFFFE00] =	vst v27  }
0x11e: {  	v40 =	vadd.s32 $0x2000, v3;
	v38 =	vld.idx.msk [tilespmem:v32+s4+$0x0], $0xffff;
	[tilespmem:s24+$0xFFFFFDA0] =	vst v11  }
0x11f: {  	v43 =	vadd.s32 $0x2000, v1;
	[tilespmem:s24+$0xFFFFFDB0] =	vst v12;
	v36 =	vld.idx.msk [tilespmem:v30+s4+$0x0], $0xffff  }
0x120: {  	v34 =	vadd.s32 $0x1800, v0;
	[tilespmem:s24+$0xFFFFFDC0] =	vst v14;
	v13 =	vld.idx.msk [tilespmem:v35+s4+$0x0], $0xffff  }
0x121: {  	v42 =	vadd.s32 $0x2000, v2;
	[tilespmem:s24+$0xFFFFFD90] =	vst v17;
	v16 =	vld.idx.msk [tilespmem:v37+s4+$0x0], $0xffff  }
0x122: {  	v18 =	vld.idx.msk [tilespmem:v39+s4+$0x0], $0xffff;
	[tilespmem:s24+$0xFFFFFD70] =	vst v8;
	v8 =	vadd.s32 $0x2800, v7  }
0x123: {  	v45 =	vadd.s32 $0x2800, v5;
	[tilespmem:s24+$0xFFFFFDE0] =	vst v9;
	v46 =	vld.idx.msk [tilespmem:v40+s4+$0x0], $0xffff  }
0x124: {  	v48 =	vadd.s32 $0x2800, v6;
	v50 =	vld.idx.msk [tilespmem:v43+s4+$0x0], $0xffff;
	[tilespmem:s24+$0xFFFFFDD0] =	vst v38  }
0x125: {  	v49 =	vadd.s32 $0x2800, v4;
	v41 =	vld.idx.msk [tilespmem:v34+s4+$0x0], $0xffff;
	[tilespmem:s24+$0xFFFFFE80] =	vst v36  }
0x126: {  	v44 =	vadd.s32 $0x2000, v0;
	v19 =	vld.idx.msk [tilespmem:v42+s4+$0x0], $0xffff;
	[tilespmem:s24+$0xFFFFFE20] =	vst v13  }
0x127: {  	v51 =	vadd.s32 $0x2800, v3;
	[tilespmem:s24+$0xFFFFFE30] =	vst v16;
	v8 =	vld.idx.msk [tilespmem:v8+s4+$0x0], $0xffff  }
0x128: {  	v47 =	vadd.s32 $0x3000, v7;
	[tilespmem:s24+$0xFFFFFE10] =	vst v18;
	v17 =	vld.idx.msk [tilespmem:v45+s4+$0x0], $0xffff  }
0x129: {  	v52 =	vadd.s32 $0x2800, v2;
	[tilespmem:s24+$0xFFFFFE40] =	vst v46;
	v11 =	vld.idx.msk [tilespmem:v48+s4+$0x0], $0xffff  }
0x12a: {  	v55 =	vadd.s32 $0x3000, v6;
	v54 =	vld.idx.msk [tilespmem:v49+s4+$0x0], $0xffff;
	[tilespmem:s24+$0xFFFFFDF0] =	vst v41  }
0x12b: {  	v56 =	vadd.s32 $0x3000, v5;
	[tilespmem:s24+$0xFFFFFE60] =	vst v50;
	v15 =	vld.idx.msk [tilespmem:v44+s4+$0x0], $0xffff  }
0x12c: {  	v53 =	vadd.s32 $0x2800, v0;
	v14 =	vld.idx.msk [tilespmem:v51+s4+$0x0], $0xffff;
	[tilespmem:s24+$0xFFFFFF00] =	vst v8  }
0x12d: {  	[tilespmem:s24+$0xFFFFFE50] =	vst v19;
	v8 =	vadd.s32 $0x2800, v1;
	v9 =	vld.idx.msk [tilespmem:v47+s4+$0x0], $0xffff  }
0x12e: {  	v7 =	vadd.s32 $0x3800, v7;
	v16 =	vld.idx.msk [tilespmem:v52+s4+$0x0], $0xffff;
	[tilespmem:s24+$0xFFFFFE90] =	vst v11  }
0x12f: {  	v57 =	vadd.s32 $0x3000, v4;
	[tilespmem:s24+$0xFFFFFEA0] =	vst v17;
	v12 =	vld.idx.msk [tilespmem:v55+s4+$0x0], $0xffff  }
0x130: {  	v58 =	vadd.s32 $0x3000, v3;
	v13 =	vld.idx.msk [tilespmem:v56+s4+$0x0], $0xffff;
	[tilespmem:s24+$0xFFFFFE70] =	vst v15  }
0x131: {  	v59 =	vadd.s32 $0x3000, v2;
	[tilespmem:s24+$0xFFFFFEB0] =	vst v54;
	v18 =	vld.idx.msk [tilespmem:v53+s4+$0x0], $0xffff  }
0x132: {  	v6 =	vadd.s32 $0x3800, v6;
	v8 =	vld.idx.msk [tilespmem:v8+s4+$0x0], $0xffff;
	[tilespmem:s24+$0xFFFFFF80] =	vst v9  }
0x133: {  	v60 =	vadd.s32 $0x3000, v1;
	[tilespmem:s24+$0xFFFFFEC0] =	vst v14;
	v7 =	vld.idx.msk [tilespmem:v7+s4+$0x0], $0xffff  }
0x134: {  	v61 =	vadd.s32 $0x3000, v0;
	v62 =	vld.idx.msk [tilespmem:v57+s4+$0x0], $0xffff;
	[tilespmem:s24+$0xFFFFFED0] =	vst v16  }
0x135: {  	v5 =	vadd.s32 $0x3800, v5;
	v63 =	vld.idx.msk [tilespmem:v58+s4+$0x0], $0xffff;
	[tilespmem:s24+$0xFFFFFF10] =	vst v12  }
0x136: {  	v3 =	vadd.s32 $0x3800, v3;
	v9 =	vld.idx.msk [tilespmem:v59+s4+$0x0], $0xffff;
	[tilespmem:s24+$0xFFFFFEF0] =	vst v18  }
0x137: {  	v12 =	vld.idx.msk [tilespmem:v6+s4+$0x0], $0xffff;
	[tilespmem:s24+$0xFFFFFEE0] =	vst v8;
	v8 =	vadd.s32 $0x3800, v4  }
0x138: {  	v11 =	vld.idx.msk [tilespmem:v60+s4+$0x0], $0xffff;
	[tilespmem:s24+$0x0] =	vst v7;
	v7 =	vadd.s32 $0x3800, v2  }
0x139: {  	v1 =	vadd.s32 $0x3800, v1;
	[tilespmem:s24+$0xFFFFFF20] =	vst v13;
	v10 =	vld.idx.msk [tilespmem:v61+s4+$0x0], $0xffff  }
0x13a: {  	v0 =	vadd.s32 $0x3800, v0;
	[tilespmem:s24+$0xFFFFFF40] =	vst v63;
	v4 =	vld.idx.msk [tilespmem:v5+s4+$0x0], $0xffff  }
0x13b: {  	[tilespmem:s24+$0xFFFFFF30] =	vst v62;
	v2 =	vld.idx.msk [tilespmem:v3+s4+$0x0], $0xffff  }
0x13c: {  	[tilespmem:s24+$0xFFFFFF50] =	vst v9;
	v5 =	vld.idx.msk [tilespmem:v8+s4+$0x0], $0xffff  }
0x13d: {  	[tilespmem:s24+$0xFFFFFF60] =	vst v11;
	v6 =	vld.idx.msk [tilespmem:v7+s4+$0x0], $0xffff  }
0x13e: {  	[tilespmem:s24+$0xFFFFFF70] =	vst v10;
	v3 =	vld.idx.msk [tilespmem:v1+s4+$0x0], $0xffff  }
0x13f: {  	s26 =	simm.s32 $0x0;
	s28 =	simm.s32 $0x41F0;
	[tilespmem:s24+$0xFFFFFF90] =	vst v12;
	v1 =	vld.idx.msk [tilespmem:v0+s4+$0x0], $0xffff  }
.LBB2_13:
0x140: {  	v0 =	vld [tilespmem:s28+$0x0];
	s26 =	sadd.s32 $0x80, s26;
	[tilespmem:s24+$0xFFFFFFA0] =	vst v4  }
0x141: {  	v7 =	vld [tilespmem:s28+$0xFFFFFFA0];
	p0 =	slt.u32 s26, $0xF80;
	[tilespmem:s24+$0xFFFFFFB0] =	vst v5  }
0x142: {  	v5 =	vld [tilespmem:s28+$0xFFFFFFB0];
	[tilespmem:s24+$0xFFFFFFC0] =	vst v2  }
0x143: {  	v2 =	vld [tilespmem:s28+$0xFFFFFFC0];
	[tilespmem:s24+$0xFFFFFFD0] =	vst v6  }
0x144: {  	v6 =	vld [tilespmem:s28+$0xFFFFFFD0];
	[tilespmem:s24+$0xFFFFFFE0] =	vst v3  }
0x145: {  	v3 =	vld [tilespmem:s28+$0xFFFFFFE0];
	[tilespmem:s24+$0xFFFFFFF0] =	vst v1  }
0x146: {  	v1 =	vadd.s32 $0x800, v7;
	v21 =	vadd.s32 $0x1000, v7;
	v22 =	vadd.s32 $0x1800, v7;
	v23 =	vld [tilespmem:s28+$0xFFFFFFF0]  }
0x147: {  	v4 =	vld [tilespmem:s28+$0xFFFFFF90];
	v8 =	vadd.s32 $0x800, v5;
	v24 =	vadd.s32 $0x1000, v5;
	v25 =	vadd.s32 $0x1800, v5  }
0x148: {  	v9 =	vadd.s32 $0x800, v2;
	v26 =	vadd.s32 $0x1000, v2;
	v27 =	vadd.s32 $0x1800, v2;
	v10 =	vld.idx.msk [tilespmem:v0+s4+$0x0], $0xffff  }
0x149: {  	v11 =	vld.idx.msk [tilespmem:v7+s4+$0x0], $0xffff;
	v12 =	vadd.s32 $0x800, v6;
	v28 =	vadd.s32 $0x1000, v6;
	v29 =	vadd.s32 $0x1800, v6  }
0x14a: {  	v14 =	vadd.s32 $0x800, v0;
	v13 =	vld.idx.msk [tilespmem:v5+s4+$0x0], $0xffff;
	v30 =	vadd.s32 $0x800, v3;
	v31 =	vadd.s32 $0x1000, v3  }
0x14b: {  	v32 =	vadd.s32 $0x1800, v3;
	v16 =	vld.idx.msk [tilespmem:v2+s4+$0x0], $0xffff;
	v33 =	vadd.s32 $0x800, v23;
	v34 =	vadd.s32 $0x1000, v23  }
0x14c: {  	v35 =	vadd.s32 $0x800, v4;
	v36 =	vadd.s32 $0x1000, v4;
	v37 =	vadd.s32 $0x1800, v4;
	v20 =	vld.idx.msk [tilespmem:v6+s4+$0x0], $0xffff  }
0x14d: {  	s24 =	sadd.s32 $0x400, s24;
	v39 =	vadd.s32 $0x2000, v7;
	v41 =	vadd.s32 $0x1800, v23;
	v38 =	vadd.s32 $0x2000, v4;
	v40 =	vld.idx.msk [tilespmem:v3+s4+$0x0], $0xffff  }
0x14e: {  	v42 =	vadd.s32 $0x2000, v5;
	v43 =	vadd.s32 $0x2000, v2;
	v44 =	vadd.s32 $0x2000, v6;
	v45 =	vld.idx.msk [tilespmem:v23+s4+$0x0], $0xffff;
	[tilespmem:s24+$0xFFFFFC80] =	vst v10  }
0x14f: {  	v46 =	vadd.s32 $0x2000, v3;
	v47 =	vadd.s32 $0x2000, v23;
	v15 =	vadd.s32 $0x2800, v4;
	[tilespmem:s24+$0xFFFFFC20] =	vst v11;
	v48 =	vld.idx.msk [tilespmem:v14+s4+$0x0], $0xffff  }
0x150: {  	v50 =	vadd.s32 $0x2800, v7;
	v19 =	vadd.s32 $0x2800, v5;
	v17 =	vadd.s32 $0x2800, v2;
	v49 =	vld.idx.msk [tilespmem:v4+s4+$0x0], $0xffff;
	[tilespmem:s24+$0xFFFFFC30] =	vst v13  }
0x151: {  	v52 =	vadd.s32 $0x1000, v0;
	v18 =	vadd.s32 $0x2800, v6;
	v51 =	vld.idx.msk [tilespmem:v1+s4+$0x0], $0xffff;
	[tilespmem:s24+$0xFFFFFC40] =	vst v16;
	v16 =	vadd.s32 $0x2800, v3  }
0x152: {  	v10 =	vadd.s32 $0x3000, v7;
	v13 =	vadd.s32 $0x3000, v4;
	v53 =	vld.idx.msk [tilespmem:v8+s4+$0x0], $0xffff;
	[tilespmem:s24+$0xFFFFFC50] =	vst v20;
	v20 =	vadd.s32 $0x2800, v23  }
0x153: {  	v14 =	vadd.s32 $0x3000, v5;
	v11 =	vadd.s32 $0x3000, v2;
	v8 =	vadd.s32 $0x3000, v6;
	v54 =	vld.idx.msk [tilespmem:v9+s4+$0x0], $0xffff;
	[tilespmem:s24+$0xFFFFFC60] =	vst v40  }
0x154: {  	v4 =	vadd.s32 $0x3800, v4;
	v9 =	vadd.s32 $0x3000, v23;
	v40 =	vld.idx.msk [tilespmem:v12+s4+$0x0], $0xffff;
	v12 =	vadd.s32 $0x3000, v3;
	[tilespmem:s24+$0xFFFFFC70] =	vst v45  }
0x155: {  	v7 =	vadd.s32 $0x3800, v7;
	v5 =	vadd.s32 $0x3800, v5;
	v2 =	vadd.s32 $0x3800, v2;
	v30 =	vld.idx.msk [tilespmem:v30+s4+$0x0], $0xffff;
	[tilespmem:s24+$0xFFFFFD00] =	vst v48  }
0x156: {  	v1 =	vadd.s32 $0x3800, v23;
	v6 =	vadd.s32 $0x3800, v6;
	v3 =	vadd.s32 $0x3800, v3;
	[tilespmem:s24+$0xFFFFFC10] =	vst v49;
	v23 =	vld.idx.msk [tilespmem:v52+s4+$0x0], $0xffff  }
0x157: {  	v35 =	vld.idx.msk [tilespmem:v35+s4+$0x0], $0xffff;
	[tilespmem:s24+$0xFFFFFCA0] =	vst v51  }
0x158: {  	v45 =	vadd.s32 $0x1800, v0;
	[tilespmem:s24+$0xFFFFFCB0] =	vst v53;
	v33 =	vld.idx.msk [tilespmem:v33+s4+$0x0], $0xffff  }
0x159: {  	v21 =	vld.idx.msk [tilespmem:v21+s4+$0x0], $0xffff;
	[tilespmem:s24+$0xFFFFFCC0] =	vst v54  }
0x15a: {  	v24 =	vld.idx.msk [tilespmem:v24+s4+$0x0], $0xffff;
	[tilespmem:s24+$0xFFFFFCD0] =	vst v40  }
0x15b: {  	v26 =	vld.idx.msk [tilespmem:v26+s4+$0x0], $0xffff;
	[tilespmem:s24+$0xFFFFFCE0] =	vst v30  }
0x15c: {  	v28 =	vld.idx.msk [tilespmem:v28+s4+$0x0], $0xffff;
	[tilespmem:s24+$0xFFFFFD80] =	vst v23  }
0x15d: {  	[tilespmem:s24+$0xFFFFFC90] =	vst v35;
	v23 =	vld.idx.msk [tilespmem:v45+s4+$0x0], $0xffff  }
0x15e: {  	v30 =	vld.idx.msk [tilespmem:v36+s4+$0x0], $0xffff;
	[tilespmem:s24+$0xFFFFFCF0] =	vst v33  }
0x15f: {  	[tilespmem:s24+$0xFFFFFD20] =	vst v21;
	v21 =	vld.idx.msk [tilespmem:v31+s4+$0x0], $0xffff;
	v31 =	vadd.s32 $0x2000, v0  }
0x160: {  	[tilespmem:s24+$0xFFFFFD30] =	vst v24;
	v24 =	vld.idx.msk [tilespmem:v34+s4+$0x0], $0xffff  }
0x161: {  	v22 =	vld.idx.msk [tilespmem:v22+s4+$0x0], $0xffff;
	[tilespmem:s24+$0xFFFFFD40] =	vst v26  }
0x162: {  	v25 =	vld.idx.msk [tilespmem:v25+s4+$0x0], $0xffff;
	[tilespmem:s24+$0xFFFFFD50] =	vst v28  }
0x163: {  	v26 =	vld.idx.msk [tilespmem:v27+s4+$0x0], $0xffff;
	[tilespmem:s24+$0xFFFFFE00] =	vst v23  }
0x164: {  	[tilespmem:s24+$0xFFFFFD10] =	vst v30;
	v23 =	vld.idx.msk [tilespmem:v31+s4+$0x0], $0xffff  }
0x165: {  	v27 =	vld.idx.msk [tilespmem:v37+s4+$0x0], $0xffff;
	[tilespmem:s24+$0xFFFFFD60] =	vst v21  }
0x166: {  	v21 =	vld.idx.msk [tilespmem:v29+s4+$0x0], $0xffff;
	[tilespmem:s24+$0xFFFFFD70] =	vst v24;
	v24 =	vadd.s32 $0x2800, v0  }
0x167: {  	[tilespmem:s24+$0xFFFFFDA0] =	vst v22;
	v22 =	vld.idx.msk [tilespmem:v32+s4+$0x0], $0xffff  }
0x168: {  	[tilespmem:s24+$0xFFFFFDB0] =	vst v25;
	v25 =	vld.idx.msk [tilespmem:v41+s4+$0x0], $0xffff  }
0x169: {  	v28 =	vld.idx.msk [tilespmem:v39+s4+$0x0], $0xffff;
	[tilespmem:s24+$0xFFFFFDC0] =	vst v26  }
0x16a: {  	v26 =	vld.idx.msk [tilespmem:v42+s4+$0x0], $0xffff;
	[tilespmem:s24+$0xFFFFFE80] =	vst v23  }
0x16b: {  	[tilespmem:s24+$0xFFFFFD90] =	vst v27;
	v23 =	vld.idx.msk [tilespmem:v24+s4+$0x0], $0xffff  }
0x16c: {  	v24 =	vld.idx.msk [tilespmem:v38+s4+$0x0], $0xffff;
	[tilespmem:s24+$0xFFFFFDD0] =	vst v21  }
0x16d: {  	v21 =	vld.idx.msk [tilespmem:v43+s4+$0x0], $0xffff;
	[tilespmem:s24+$0xFFFFFDE0] =	vst v22;
	v22 =	vadd.s32 $0x3000, v0  }
0x16e: {  	v27 =	vld.idx.msk [tilespmem:v44+s4+$0x0], $0xffff;
	[tilespmem:s24+$0xFFFFFDF0] =	vst v25  }
0x16f: {  	[tilespmem:s24+$0xFFFFFE20] =	vst v28;
	v25 =	vld.idx.msk [tilespmem:v46+s4+$0x0], $0xffff  }
0x170: {  	[tilespmem:s24+$0xFFFFFE30] =	vst v26;
	v26 =	vld.idx.msk [tilespmem:v47+s4+$0x0], $0xffff  }
0x171: {  	v28 =	vld.idx.msk [tilespmem:v50+s4+$0x0], $0xffff;
	[tilespmem:s24+$0xFFFFFF00] =	vst v23  }
0x172: {  	[tilespmem:s24+$0xFFFFFE10] =	vst v24;
	v22 =	vld.idx.msk [tilespmem:v22+s4+$0x0], $0xffff  }
0x173: {  	v15 =	vld.idx.msk [tilespmem:v15+s4+$0x0], $0xffff;
	[tilespmem:s24+$0xFFFFFE40] =	vst v21  }
0x174: {  	v0 =	vadd.s32 $0x3800, v0;
	v19 =	vld.idx.msk [tilespmem:v19+s4+$0x0], $0xffff;
	[tilespmem:s24+$0xFFFFFE50] =	vst v27  }
0x175: {  	v17 =	vld.idx.msk [tilespmem:v17+s4+$0x0], $0xffff;
	[tilespmem:s24+$0xFFFFFE60] =	vst v25  }
0x176: {  	v18 =	vld.idx.msk [tilespmem:v18+s4+$0x0], $0xffff;
	[tilespmem:s24+$0xFFFFFE70] =	vst v26  }
0x177: {  	[tilespmem:s24+$0xFFFFFEA0] =	vst v28;
	v16 =	vld.idx.msk [tilespmem:v16+s4+$0x0], $0xffff  }
0x178: {  	v20 =	vld.idx.msk [tilespmem:v20+s4+$0x0], $0xffff;
	[tilespmem:s24+$0xFFFFFF80] =	vst v22  }
0x179: {  	[tilespmem:s24+$0xFFFFFE90] =	vst v15;
	v0 =	vld.idx.msk [tilespmem:v0+s4+$0x0], $0xffff  }
0x17a: {  	v13 =	vld.idx.msk [tilespmem:v13+s4+$0x0], $0xffff;
	[tilespmem:s24+$0xFFFFFEB0] =	vst v19  }
0x17b: {  	v10 =	vld.idx.msk [tilespmem:v10+s4+$0x0], $0xffff;
	[tilespmem:s24+$0xFFFFFEC0] =	vst v17  }
0x17c: {  	v14 =	vld.idx.msk [tilespmem:v14+s4+$0x0], $0xffff;
	[tilespmem:s24+$0xFFFFFED0] =	vst v18  }
0x17d: {  	v11 =	vld.idx.msk [tilespmem:v11+s4+$0x0], $0xffff;
	[tilespmem:s24+$0xFFFFFEE0] =	vst v16  }
0x17e: {  	v8 =	vld.idx.msk [tilespmem:v8+s4+$0x0], $0xffff;
	[tilespmem:s24+$0xFFFFFEF0] =	vst v20  }
0x17f: {  	v12 =	vld.idx.msk [tilespmem:v12+s4+$0x0], $0xffff;
	[tilespmem:s24+$0x0] =	vst v0  }
0x180: {  	[tilespmem:s24+$0xFFFFFF10] =	vst v13;
	v0 =	vld.idx.msk [tilespmem:v9+s4+$0x0], $0xffff  }
0x181: {  	v9 =	vld.idx.msk [tilespmem:v4+s4+$0x0], $0xffff;
	[tilespmem:s24+$0xFFFFFF20] =	vst v10  }
0x182: {  	v4 =	vld.idx.msk [tilespmem:v7+s4+$0x0], $0xffff;
	[tilespmem:s24+$0xFFFFFF30] =	vst v14  }
.Ltmp6:
0x183: {  	v5 =	vld.idx.msk [tilespmem:v5+s4+$0x0], $0xffff;
	[tilespmem:s24+$0xFFFFFF40] =	vst v11;
	(pc) =	sbr.rel @p0 .LBB2_13-.Ltmp6, $4  }
0x184: {  	v2 =	vld.idx.msk [tilespmem:v2+s4+$0x0], $0xffff;
	[tilespmem:s24+$0xFFFFFF50] =	vst v8  }
0x185: {  	v6 =	vld.idx.msk [tilespmem:v6+s4+$0x0], $0xffff;
	[tilespmem:s24+$0xFFFFFF60] =	vst v12  }
0x186: {  	v3 =	vld.idx.msk [tilespmem:v3+s4+$0x0], $0xffff;
	[tilespmem:s24+$0xFFFFFF70] =	vst v0  }
0x187: {  	s28 =	sadd.s32 $0x100, s28;
	[tilespmem:s24+$0xFFFFFF90] =	vst v9;
	v1 =	vld.idx.msk [tilespmem:v1+s4+$0x0], $0xffff  }
0x188: {  	[tilespmem:s24+$0xFFFFFFA0] =	vst v4;
	s23 =	sadd.s32 $0x1, s23  }
0x189: {  	[tilespmem:s24+$0xFFFFFFB0] =	vst v5;
	p0 =	sne.s32 s23, $0x19  }
.Ltmp7:
0x18a: {  	[tilespmem:s24+$0xFFFFFFC0] =	vst v2;
	(pc) =	sbr.rel @p0 .LBB2_3-.Ltmp7, $4  }
0x18b: {  	[tilespmem:s24+$0xFFFFFFD0] =	vst v6  }
0x18c: {  	[tilespmem:s24+$0xFFFFFFE0] =	vst v3  }
0x18d: {  	s8 =	sadd.s32 s25, s16;
	[tilespmem:s24+$0xFFFFFFF0] =	vst v1  }
0x18e: {  	[hbm4b:s8+s4] =	stream.linear.scatter [tilespmem:s1], [sflag:$0x2], $0x8000, $0x38;
	[tilespmem:$0x16000] =	vst v63  }
0x18f: {  	s22 =	sadd.s32 $0x1, s22  }
0x190: {  	_ =	swait.ge [sflag:s21], $0x8000;
	p0 =	sne.s32 s22, s17  }
.Ltmp8:
0x191: {  	[sflag:s21] =	ssyncset.done $0x0;
	(pc) =	sbr.rel @p0 .LBB2_1-.Ltmp8, $4  }
0x192: {  	[sflag:s21] =	ssyncadd.s32 $0xFFFF8000  }
0x193: {  	_ =	swait.ge [sflag:s0], $0x8000  }
0x194: {  	[sflag:s0] =	ssyncset.done $0x0  }
0x195: {  	[sflag:s0] =	ssyncadd.s32 $0xFFFF8000  }
0x196: {  	_ =	sfence.sel $0x180000  }
0x197: {  	[bflag:$0x0] =	sbarrier.arrive $0xFFFF  }
0x198: {  	_ =	strace $0x90000047  }
0x199: {  	s0 =	stileid.u32;
	[bflag:$0x2] =	sbarrier.arrive $0xFFFF  }
0x19a: {  	p0 =	sne.s32 s0, $0x0;
	s0 =	rddreg [dreg:$0x3]  }
0x19b: {  	s0 =	sadd.s32 @!p0 $0x100000, s0  }
0x19c: {  	[sflag:s0] =	ssyncadd.tile.s32 @!p0 $0x1;
	_ =	shalt  }
.Lfunc_end2:
_tile_overlayer_lowered:
.L_overlay_start_2:
0x19d: {  	(tag) =	ssettag $0x2  }
0x19e: {  	s0 =	rddreg [dreg:$0x0];
	s2 =	stileid.u32  }
0x19f: {  	s1 =	rddreg [dreg:$0x1];
	p0 =	sne.s32 s2, $0x0  }
0x1a0: {  	s3 =	rddreg [dreg:$0x2];
	[bflag:$0x3] =	sbarrier.arrive $0xFFFF;
	s2 =	simm.s32 @!p0 $0x1C05  }
0x1a1: {  	[timem:s3], [sflag:s2] =	dma.local @!p0 [hbm:s0], s1  }
0x1a2: {  	s0 =	simm.s32 @!p0 $0x5  }
0x1a3: {  	_ =	swait.ge @!p0 [sflag:s0], s1  }
0x1a4: {  	s1 =	ssub.s32 @!p0 $0x0, s1;
	[sflag:s0] =	ssyncset.done @!p0 $0x0  }
0x1a5: {  	[sflag:s0] =	ssyncadd.s32 @!p0 s1  }
0x1a6: {  	[bflag:$0x3] =	sbarrier.arrive $0xFFFF  }
0x1a7: {  	_ =	shalt  }

</sc_bundles>
